<compile_context>
chip_gen: v7x
topology: tpu7x:2x2x1
jax: 0.10.2.dev20260603
libtpu: 0.0.44.dev20260713+nightly
codegen_flags: <defaults>
</compile_context>

<pallas_src>
import jax
import jax.numpy as jnp
from jax import lax
from jax.experimental import pallas as pl
from jax.experimental.pallas import tpu as pltpu
from jax.experimental.pallas import tpu_sc as plsc

T = 1024
HID = 2048
INTER = 1408
E = 16
GSZ = 4
RSF = 2.5
SH_INTER = 2816
SH_TILE = 256
NA = 2048
B = 128
NB = 32
NBB = NB * B
NEG = -1e9

_HI = lax.Precision.HIGHEST


def _dot(a, b):
    return lax.dot_general(a, b, (((1,), (0,)), ((), ())),
                           precision=_HI, preferred_element_type=jnp.float32)


def _dotd(a, b):
    return lax.dot_general(a, b, (((1,), (0,)), ((), ())),
                           preferred_element_type=jnp.float32)


def _router_body(x_ref, wg_ref, b_ref, pos_ref, w_ref, be_ref, xbf_ref):
    f32 = jnp.float32
    x = x_ref[...]
    logits = lax.dot_general(x, wg_ref[...], (((1,), (0,)), ((), ())),
                             preferred_element_type=jnp.float32)
    scores = jax.nn.sigmoid(logits)
    s4 = scores + b_ref[...]

    r16 = lax.broadcasted_iota(jnp.int32, (E, E), 0)
    c16 = lax.broadcasted_iota(jnp.int32, (E, E), 1)

    def roll(v, k):
        tgt = (c16 // GSZ) * GSZ + ((c16 % GSZ + k) % GSZ)
        return _dot(v, (r16 == tgt).astype(f32))

    u = jnp.maximum(s4 + roll(s4, 1), s4 + roll(s4, 2))
    v = jnp.maximum(u, roll(u, 1))
    gsc = jnp.maximum(v, roll(v, 2))

    lane = lax.broadcasted_iota(jnp.int32, (T, E), 1)
    gid = lane // GSZ
    gmax = jnp.max(gsc, axis=1, keepdims=True)
    i1g = jnp.min(jnp.where(gsc == gmax, gid, 99), axis=1, keepdims=True)
    g2s = jnp.where(gid == i1g, jnp.float32(-1e30), gsc)
    g2max = jnp.max(g2s, axis=1, keepdims=True)
    i2g = jnp.min(jnp.where(g2s == g2max, gid, 99), axis=1, keepdims=True)
    gmask = (gid == i1g) | (gid == i2g)

    msk = jnp.where(gmask, s4, NEG)
    m1 = jnp.max(msk, axis=1, keepdims=True)
    e1 = jnp.min(jnp.where(msk == m1, lane, 99), axis=1, keepdims=True)
    msk2 = jnp.where(lane == e1, NEG, msk)
    m2 = jnp.max(msk2, axis=1, keepdims=True)
    e2 = jnp.min(jnp.where(msk2 == m2, lane, 99), axis=1, keepdims=True)

    w1 = jnp.sum(jnp.where(lane == e1, scores, 0.0), axis=1, keepdims=True)
    w2 = jnp.sum(jnp.where(lane == e2, scores, 0.0), axis=1, keepdims=True)
    ws = w1 + w2 + 1e-20
    w1 = w1 / ws * RSF
    w2 = w2 / ws * RSF

    ecol = jnp.concatenate([e1, e2], axis=0)
    wcol = jnp.concatenate([w1, w2], axis=0)

    lane16 = lax.broadcasted_iota(jnp.int32, (NA, E), 1)
    oh = (ecol == lane16).astype(f32)
    cum = oh
    sh = 1
    while sh < NA:
        cum = cum + jnp.concatenate(
            [jnp.zeros((sh, E), f32), cum[:NA - sh, :]], axis=0)
        sh *= 2
    rank = jnp.sum(cum * oh, axis=1, keepdims=True) - 1.0
    cnt = cum[NA - 1:NA, :]
    cpad = ((cnt.astype(jnp.int32) + (B - 1)) // B) * B
    cpad_f = cpad.astype(f32)
    off = _dot(cpad_f, (r16 < c16).astype(f32))
    offend = off + cpad_f
    off_e = jnp.sum(oh * off, axis=1, keepdims=True)
    pos_ref[...] = (off_e + rank).astype(jnp.int32)
    w_ref[...] = wcol

    brow = lax.broadcasted_iota(jnp.int32, (NB, E), 0) * B
    be = jnp.sum((brow >= offend.astype(jnp.int32)).astype(jnp.int32),
                 axis=1, keepdims=True)
    be_ref[...] = jnp.minimum(be, E - 1)
    xbf_ref[...] = x.astype(jnp.bfloat16)


def _router(x, w_gate, bias2d):
    return pl.pallas_call(
        _router_body,
        out_shape=[jax.ShapeDtypeStruct((NA, 1), jnp.int32),
                   jax.ShapeDtypeStruct((NA, 1), jnp.float32),
                   jax.ShapeDtypeStruct((NB, 1), jnp.int32),
                   jax.ShapeDtypeStruct((T, HID), jnp.bfloat16)],
    )(x, w_gate, bias2d)


def _dispatch_body(pos_hbm, w_hbm, rows_hbm, wslot_hbm, posv, wv, rowsv, wsv):
    cid = lax.axis_index("c")
    sid = lax.axis_index("s")

    @pl.when(jnp.logical_and(cid == 0, sid == 0))
    def _():
        pltpu.sync_copy(pos_hbm, posv)
        pltpu.sync_copy(w_hbm, wv)
        zi = jnp.zeros((16,), jnp.int32)
        zf = jnp.zeros((16,), jnp.float32)

        def zbody(i, carry):
            rowsv[pl.ds(i * 16, 16)] = zi
            wsv[pl.ds(i * 16, 16)] = zf
            return carry

        lax.fori_loop(0, NBB // 16, zbody, 0)
        lanes = lax.iota(jnp.int32, 16)

        def sbody(i, carry):
            idx = posv[pl.ds(i * 16, 16)]
            tok = jnp.bitwise_and(i * 16 + lanes, T - 1)
            plsc.store_scatter(rowsv, [idx], tok)
            plsc.store_scatter(wsv, [idx], wv[pl.ds(i * 16, 16)])
            return carry

        lax.fori_loop(0, NA // 16, sbody, 0)
        pltpu.sync_copy(rowsv, rows_hbm)
        pltpu.sync_copy(wsv, wslot_hbm)


def _dispatch(posf, wf):
    fn = pl.kernel(
        _dispatch_body,
        out_type=[jax.ShapeDtypeStruct((NBB,), jnp.int32),
                  jax.ShapeDtypeStruct((NBB,), jnp.float32)],
        mesh=plsc.VectorSubcoreMesh(core_axis_name="c", subcore_axis_name="s"),
        scratch_types=[pltpu.VMEM((NA,), jnp.int32),
                       pltpu.VMEM((NA,), jnp.float32),
                       pltpu.VMEM((NBB,), jnp.int32),
                       pltpu.VMEM((NBB,), jnp.float32)],
        compiler_params=pltpu.CompilerParams(needs_layout_passes=False),
    )
    return fn(posf, wf)


def _shared_body(x_ref, wsg_ref, wsu_ref, wsd_ref, out_ref):
    i = pl.program_id(0)
    x = x_ref[...]
    hg = _dotd(x, wsg_ref[...])
    hu = _dotd(x, wsu_ref[...])
    part = _dotd(hg * jax.nn.sigmoid(hg) * hu, wsd_ref[...])

    @pl.when(i == 0)
    def _():
        out_ref[...] = part

    @pl.when(i > 0)
    def _():
        out_ref[...] = out_ref[...] + part


def _shared(x, wsg, wsu, wsd):
    nst = SH_INTER // SH_TILE
    return pl.pallas_call(
        _shared_body,
        grid=(nst,),
        in_specs=[
            pl.BlockSpec((T, HID), lambda i: (0, 0)),
            pl.BlockSpec((HID, SH_TILE), lambda i: (0, i)),
            pl.BlockSpec((HID, SH_TILE), lambda i: (0, i)),
            pl.BlockSpec((SH_TILE, HID), lambda i: (i, 0)),
        ],
        out_specs=pl.BlockSpec((T, HID), lambda i: (0, 0)),
        out_shape=jax.ShapeDtypeStruct((T, HID), jnp.float32),
        compiler_params=pltpu.CompilerParams(
            dimension_semantics=("arbitrary",)),
    )(x, wsg, wsu, wsd)


def _moe_up_body(be_ref, rows_ref, xbf_ref, wg_ref, wu_ref, ws_ref, h_ref):
    rb = rows_ref[0]
    lane_t = lax.broadcasted_iota(jnp.int32, (B, T), 1)
    pb = (rb == lane_t).astype(jnp.bfloat16)
    xb = _dotd(pb, xbf_ref[...])
    hg = _dotd(xb, wg_ref[0])
    hu = _dotd(xb, wu_ref[0])
    h_ref[0] = (hg * jax.nn.sigmoid(hg) * hu * ws_ref[0]).astype(jnp.bfloat16)


def _moe_up(bef, rows3, xbf, wg, wu, ws3):
    grid_spec = pltpu.PrefetchScalarGridSpec(
        num_scalar_prefetch=1,
        grid=(NB,),
        in_specs=[
            pl.BlockSpec((1, B, 1), lambda b, be: (b, 0, 0)),
            pl.BlockSpec((T, HID), lambda b, be: (0, 0)),
            pl.BlockSpec((1, HID, INTER), lambda b, be: (be[b], 0, 0)),
            pl.BlockSpec((1, HID, INTER), lambda b, be: (be[b], 0, 0)),
            pl.BlockSpec((1, B, 1), lambda b, be: (b, 0, 0)),
        ],
        out_specs=pl.BlockSpec((1, B, INTER), lambda b, be: (b, 0, 0)),
    )
    return pl.pallas_call(
        _moe_up_body,
        grid_spec=grid_spec,
        out_shape=jax.ShapeDtypeStruct((NB, B, INTER), jnp.bfloat16),
        compiler_params=pltpu.CompilerParams(
            dimension_semantics=("arbitrary",),
            vmem_limit_bytes=60 * 1024 * 1024),
    )(bef, rows3, xbf, wg, wu, ws3)


def _moe_down_body(be_ref, h_ref, wd_ref, out_ref):
    out_ref[0] = _dotd(h_ref[0].astype(jnp.float32),
                       wd_ref[0]).astype(jnp.bfloat16)


def _moe_down(bef, h3, wd):
    grid_spec = pltpu.PrefetchScalarGridSpec(
        num_scalar_prefetch=1,
        grid=(NB,),
        in_specs=[
            pl.BlockSpec((1, B, INTER), lambda b, be: (b, 0, 0)),
            pl.BlockSpec((1, INTER, HID), lambda b, be: (be[b], 0, 0)),
        ],
        out_specs=pl.BlockSpec((1, B, HID), lambda b, be: (b, 0, 0)),
    )
    return pl.pallas_call(
        _moe_down_body,
        grid_spec=grid_spec,
        out_shape=jax.ShapeDtypeStruct((NB, B, HID), jnp.bfloat16),
        compiler_params=pltpu.CompilerParams(
            dimension_semantics=("arbitrary",),
            vmem_limit_bytes=60 * 1024 * 1024),
    )(bef, h3, wd)


_CW = 512


def _combine_body(pos_ref, yg_ref, sh_ref, out_ref, p_ref):
    i = pl.program_id(0)

    @pl.when(i == 0)
    def _():
        posc = pos_ref[...]
        lane = lax.broadcasted_iota(jnp.int32, (T, NBB), 1)
        p_ref[...] = ((lane == posc[:T, :]) |
                      (lane == posc[T:, :])).astype(jnp.bfloat16)

    out_ref[...] = _dotd(p_ref[...], yg_ref[...]) + sh_ref[...]


def _combine(pos, yg, shared):
    return pl.pallas_call(
        _combine_body,
        grid=(HID // _CW,),
        in_specs=[
            pl.BlockSpec((NA, 1), lambda i: (0, 0)),
            pl.BlockSpec((NBB, _CW), lambda i: (0, i)),
            pl.BlockSpec((T, _CW), lambda i: (0, i)),
        ],
        out_specs=pl.BlockSpec((T, _CW), lambda i: (0, i)),
        out_shape=jax.ShapeDtypeStruct((T, HID), jnp.float32),
        scratch_shapes=[pltpu.VMEM((T, NBB), jnp.bfloat16)],
        compiler_params=pltpu.CompilerParams(
            dimension_semantics=("arbitrary",)),
    )(pos, yg, shared)


def kernel(hidden_states, residual, layer_id, W_gate, bias_corr,
           Wg, Wu, Wd, Wsg, Wsu, Wsd):
    x = hidden_states
    pos, wcol, be, xbf = _router(x, W_gate, bias_corr.reshape(1, E))
    posf = pos.reshape(NA)
    wf = wcol.reshape(NA)
    bef = be.reshape(NB)
    rows, wslot = _dispatch(posf, wf)
    shared = _shared(x, Wsg, Wsu, Wsd)
    h3 = _moe_up(bef, rows.reshape(NB, B, 1), xbf, Wg, Wu,
                 wslot.reshape(NB, B, 1))
    yg = _moe_down(bef, h3, Wd)
    return _combine(pos, yg.reshape(NBB, HID), shared)

# --- scband reference (transcript-rebuilt; emitter-appended) ---
"""Pipeline reference for scband-deepseek-mo-e-32495722561858 (READ-ONLY COPY).

The authoritative reference and input builder live on the scoring server;
editing this copy changes nothing except your own understanding.
"""

import jax, jax.numpy as jnp
import numpy as np

T = 1024
HID = 2048
INTER = 1408
E = 16
TOPK = 2
NGROUP = 4
TOPK_GROUP = 2
RSF = 2.5
NSH = 2
SH_INTER = INTER * NSH


def setup_inputs(seed: int = 0) -> dict:
    key = jax.random.key(seed)
    ks = jax.random.split(key, 12)
    inp = {}
    inp["hidden_states"] = jax.random.normal(ks[0], (T, HID), dtype=jnp.float32)
    inp["residual"] = jax.random.normal(ks[1], (T, HID), dtype=jnp.float32)
    inp["layer_id"] = 3
    inp["W_gate"] = jax.random.normal(ks[2], (HID, E), dtype=jnp.float32) * 0.02
    inp["bias_corr"] = jax.random.normal(ks[3], (E,), dtype=jnp.float32) * 0.01
    inp["Wg"] = jax.random.normal(ks[4], (E, HID, INTER), dtype=jnp.float32) * 0.02
    inp["Wu"] = jax.random.normal(ks[5], (E, HID, INTER), dtype=jnp.float32) * 0.02
    inp["Wd"] = jax.random.normal(ks[6], (E, INTER, HID), dtype=jnp.float32) * 0.02
    inp["Wsg"] = jax.random.normal(ks[7], (HID, SH_INTER), dtype=jnp.float32) * 0.02
    inp["Wsu"] = jax.random.normal(ks[8], (HID, SH_INTER), dtype=jnp.float32) * 0.02
    inp["Wsd"] = jax.random.normal(ks[9], (SH_INTER, HID), dtype=jnp.float32) * 0.02
    return inp


def reference(hidden_states, residual, layer_id, W_gate, bias_corr, Wg, Wu, Wd, Wsg, Wsu, Wsd):
    x = hidden_states
    # gate (ReplicatedLinear, fp32)
    router_logits = x.astype(jnp.float32) @ W_gate
    # scoring_func == 'sigmoid'
    scores = jax.nn.sigmoid(router_logits)
    # noaux_tc: bias-corrected scores used only for expert selection
    scores_for_choice = scores + bias_corr[None, :]
    # grouped top-k (use_grouped_topk=True): group score = sum of top-2 in group
    gs = scores_for_choice.reshape(T, NGROUP, E // NGROUP)
    group_scores = jax.lax.top_k(gs, 2)[0].sum(axis=-1)  # [T, NGROUP]
    _, gidx = jax.lax.top_k(group_scores, TOPK_GROUP)
    gmask = jnp.zeros((T, NGROUP), dtype=jnp.float32).at[jnp.arange(T)[:, None], gidx].set(1.0)
    emask = jnp.repeat(gmask, E // NGROUP, axis=1)  # [T, E]
    masked = jnp.where(emask > 0, scores_for_choice, -1e9)
    _, topk_ids = jax.lax.top_k(masked, TOPK)
    # weights come from uncorrected sigmoid scores
    w = jnp.take_along_axis(scores, topk_ids, axis=1)
    # renormalize (norm_topk_prob=True) then routed_scaling_factor
    w = w / (w.sum(axis=-1, keepdims=True) + 1e-20)
    w = w * RSF
    # dense combine weights via scatter-add (dispatch/combine equivalent)
    combine = jnp.zeros((T, E), dtype=jnp.float32).at[jnp.arange(T)[:, None], topk_ids].add(w)
    out = jnp.zeros((T, HID), dtype=jnp.float32)
    for e in range(E):
        h = jax.nn.silu(x @ Wg[e]) * (x @ Wu[e])
        out = out + combine[:, e:e + 1] * (h @ Wd[e])
    # shared experts (ReplicatedDeepseekMLP): SiluAndMul(gate_up) -> down
    shared = (jax.nn.silu(x @ Wsg) * (x @ Wsu)) @ Wsd
    return out + shared

if __name__ == "__main__":
    import jax
    _d = setup_inputs()
    print(jax.jit(kernel)(*tuple(_d.values())))

</pallas_src>

<mosaic_0001>
#map = affine_map<(d0, d1) -> (0)>
module attributes {stable_mosaic.version = 14 : i64} {
  func.func @_dispatch_body(%arg0: i32, %arg1: i32, %arg2: memref<2048xi32, #tpu.memory_space<hbm>>, %arg3: memref<2048xf32, #tpu.memory_space<hbm>>, %arg4: memref<4096xi32, #tpu.memory_space<hbm>>, %arg5: memref<4096xf32, #tpu.memory_space<hbm>>, %arg6: memref<2048xi32, #tpu.memory_space<vmem>>, %arg7: memref<2048xf32, #tpu.memory_space<vmem>>, %arg8: memref<4096xi32, #tpu.memory_space<vmem>>, %arg9: memref<4096xf32, #tpu.memory_space<vmem>>) attributes {dimension_semantics = [#tpu.dimension_semantics<core_parallel>, #tpu.dimension_semantics<subcore_parallel>], iteration_bounds = array<i64: 2, 16>, scalar_prefetch = 0 : i64, scratch_operands = 4 : i64, tpu.core_type = #tpu.core_type<sc_vector_subcore>, window_params = [{transform_indices = #map}, {transform_indices = #map}, {transform_indices = #map}, {transform_indices = #map}]} {
    %eq3A = arith.constant 0 : i32
    %eq3A_0 = arith.cmpi eq, %arg0, %eq3A : i32
    %eq3A_1 = arith.constant 0 : i32
    %eq3A_2 = arith.cmpi eq, %arg1, %eq3A_1 : i32
    %and3A = arith.andi %eq3A_0, %eq3A_2 : i1
    %convert_element_type3A = arith.extui %and3A : i1 to i32
    %cond3A = arith.constant 0 : i32
    %cond3A_3 = arith.cmpi ne, %convert_element_type3A, %cond3A : i32
    scf.if %cond3A_3 {
      "tpu.region"() ({
        %run_scoped3A = tpu.sem_alloc : memref<!tpu.dma_semaphore, #tpu.memory_space<semaphore_mem>>
        tpu.enqueue_dma source(%arg2 : memref<2048xi32, #tpu.memory_space<hbm>>) target(%arg6 : memref<2048xi32, #tpu.memory_space<vmem>>) target_semaphore(%run_scoped3A : memref<!tpu.dma_semaphore, #tpu.memory_space<semaphore_mem>>)
        tpu.wait_dma2 semaphore(%run_scoped3A : memref<!tpu.dma_semaphore, #tpu.memory_space<semaphore_mem>>) src(%arg2 : memref<2048xi32, #tpu.memory_space<hbm>>) dst(%arg6 : memref<2048xi32, #tpu.memory_space<vmem>>)
        tpu.yield
      }) : () -> ()
      "tpu.region"() ({
        %run_scoped3A = tpu.sem_alloc : memref<!tpu.dma_semaphore, #tpu.memory_space<semaphore_mem>>
        tpu.enqueue_dma source(%arg3 : memref<2048xf32, #tpu.memory_space<hbm>>) target(%arg7 : memref<2048xf32, #tpu.memory_space<vmem>>) target_semaphore(%run_scoped3A : memref<!tpu.dma_semaphore, #tpu.memory_space<semaphore_mem>>)
        tpu.wait_dma2 semaphore(%run_scoped3A : memref<!tpu.dma_semaphore, #tpu.memory_space<semaphore_mem>>) src(%arg3 : memref<2048xf32, #tpu.memory_space<hbm>>) dst(%arg7 : memref<2048xf32, #tpu.memory_space<vmem>>)
        tpu.yield
      }) : () -> ()
      %broadcast_in_dim3A = arith.constant 0 : i32
      %broadcast_in_dim3A_4 = vector.broadcast %broadcast_in_dim3A : i32 to vector<16xi32>
      %broadcast_in_dim3A_5 = arith.constant 0.000000e+00 : f32
      %broadcast_in_dim3A_6 = vector.broadcast %broadcast_in_dim3A_5 : f32 to vector<16xf32>
      %scan3A = arith.constant 0 : i32
      %scan3A_7 = arith.constant 0 : i32
      %scan3A_8 = arith.constant 256 : i32
      %scan3A_9 = arith.addi %scan3A_7, %scan3A_8 : i32
      %scan3A_10 = arith.constant 1 : i32
      scf.for %scan3A_18 = %scan3A_7 to %scan3A_9 step %scan3A_10  : i32 {
        %mul3A = arith.constant 16 : i32
        %mul3A_19 = arith.muli %scan3A_18, %mul3A : i32
        %swap3A = arith.index_cast %mul3A_19 : i32 to index
        %swap3A_20 = tpu.vector_load %arg8[%swap3A] {strides = array<i32>} : memref<4096xi32, #tpu.memory_space<vmem>>, vector<16xi32>,
        tpu.vector_store %arg8[%swap3A], %broadcast_in_dim3A_4 {strides = array<i32>} : memref<4096xi32, #tpu.memory_space<vmem>>, vector<16xi32>,
        %mul3A_21 = arith.constant 16 : i32
        %mul3A_22 = arith.muli %scan3A_18, %mul3A_21 : i32
        %swap3A_23 = arith.index_cast %mul3A_22 : i32 to index
        %swap3A_24 = tpu.vector_load %arg9[%swap3A_23] {strides = array<i32>} : memref<4096xf32, #tpu.memory_space<vmem>>, vector<16xf32>,
        tpu.vector_store %arg9[%swap3A_23], %broadcast_in_dim3A_6 {strides = array<i32>} : memref<4096xf32, #tpu.memory_space<vmem>>, vector<16xf32>,
      }
      %scan3A_11 = arith.constant 256 : i32
      %iota3A = tpu.iota {dimensions = array<i32: 0>} : vector<16xi32>
      %scan3A_12 = arith.constant 0 : i32
      %scan3A_13 = arith.constant 0 : i32
      %scan3A_14 = arith.constant 128 : i32
      %scan3A_15 = arith.addi %scan3A_13, %scan3A_14 : i32
      %scan3A_16 = arith.constant 1 : i32
      scf.for %scan3A_18 = %scan3A_13 to %scan3A_15 step %scan3A_16  : i32 {
        %mul3A = arith.constant 16 : i32
        %mul3A_19 = arith.muli %scan3A_18, %mul3A : i32
        %get3A = arith.index_cast %mul3A_19 : i32 to index
        %get3A_20 = tpu.vector_load %arg6[%get3A] {strides = array<i32>} : memref<2048xi32, #tpu.memory_space<vmem>>, vector<16xi32>,
        %mul3A_21 = arith.constant 16 : i32
        %mul3A_22 = arith.muli %scan3A_18, %mul3A_21 : i32
        %add3A = vector.broadcast %mul3A_22 : i32 to vector<16xi32>
        %add3A_23 = arith.addi %add3A, %iota3A : vector<16xi32>
        %and3A_24 = arith.constant 1023 : i32
        %and3A_25 = vector.broadcast %and3A_24 : i32 to vector<16xi32>
        %and3A_26 = arith.andi %add3A_23, %and3A_25 : vector<16xi32>
        tpu.vector_store_idx %arg8[%get3A_20], %and3A_26 : memref<4096xi32, #tpu.memory_space<vmem>>[vector<16xi32>], vector<16xi32>,
        %mul3A_27 = arith.constant 16 : i32
        %mul3A_28 = arith.muli %scan3A_18, %mul3A_27 : i32
        %get3A_29 = arith.index_cast %mul3A_28 : i32 to index
        %get3A_30 = tpu.vector_load %arg7[%get3A_29] {strides = array<i32>} : memref<2048xf32, #tpu.memory_space<vmem>>, vector<16xf32>,
        tpu.vector_store_idx %arg9[%get3A_20], %get3A_30 : memref<4096xf32, #tpu.memory_space<vmem>>[vector<16xi32>], vector<16xf32>,
      }
      %scan3A_17 = arith.constant 128 : i32
      "tpu.region"() ({
        %run_scoped3A = tpu.sem_alloc : memref<!tpu.dma_semaphore, #tpu.memory_space<semaphore_mem>>
        tpu.enqueue_dma source(%arg8 : memref<4096xi32, #tpu.memory_space<vmem>>) target(%arg4 : memref<4096xi32, #tpu.memory_space<hbm>>) target_semaphore(%run_scoped3A : memref<!tpu.dma_semaphore, #tpu.memory_space<semaphore_mem>>)
        tpu.wait_dma2 semaphore(%run_scoped3A : memref<!tpu.dma_semaphore, #tpu.memory_space<semaphore_mem>>) src(%arg8 : memref<4096xi32, #tpu.memory_space<vmem>>) dst(%arg4 : memref<4096xi32, #tpu.memory_space<hbm>>)
        tpu.yield
      }) : () -> ()
      "tpu.region"() ({
        %run_scoped3A = tpu.sem_alloc : memref<!tpu.dma_semaphore, #tpu.memory_space<semaphore_mem>>
        tpu.enqueue_dma source(%arg9 : memref<4096xf32, #tpu.memory_space<vmem>>) target(%arg5 : memref<4096xf32, #tpu.memory_space<hbm>>) target_semaphore(%run_scoped3A : memref<!tpu.dma_semaphore, #tpu.memory_space<semaphore_mem>>)
        tpu.wait_dma2 semaphore(%run_scoped3A : memref<!tpu.dma_semaphore, #tpu.memory_space<semaphore_mem>>) src(%arg9 : memref<4096xf32, #tpu.memory_space<vmem>>) dst(%arg5 : memref<4096xf32, #tpu.memory_space<hbm>>)
        tpu.yield
      }) : () -> ()
    } else {
    }
    return
  }
}

module attributes {stable_mosaic.version = 14 : i64} {
  func.func @_router_body(%arg0: memref<1024x2048xf32, #tpu.memory_space<vmem>>, %arg1: memref<2048x16xf32, #tpu.memory_space<vmem>>, %arg2: memref<1x16xf32, #tpu.memory_space<vmem>>, %arg3: memref<2048x1xi32, #tpu.memory_space<vmem>>, %arg4: memref<2048x1xf32, #tpu.memory_space<vmem>>, %arg5: memref<32x1xi32, #tpu.memory_space<vmem>>, %arg6: memref<1024x2048xbf16, #tpu.memory_space<vmem>>) attributes {dimension_semantics = [], scalar_prefetch = 0 : i64, scratch_operands = 0 : i64, tpu.core_type = #tpu.core_type<tc>} {
    %get3A = arith.constant 0 : index
    %get3A_0 = arith.constant 0 : index
    %get3A_1 = vector.load %arg0[%get3A, %get3A_0] : memref<1024x2048xf32, #tpu.memory_space<vmem>>, vector<1024x2048xf32>
    %get3A_2 = arith.constant 0 : index
    %get3A_3 = arith.constant 0 : index
    %get3A_4 = vector.load %arg1[%get3A_2, %get3A_3] : memref<2048x16xf32, #tpu.memory_space<vmem>>, vector<2048x16xf32>
    %dot_general3A = arith.constant dense<0.000000e+00> : vector<1024x16xf32>
    %dot_general3A_5 = tpu.matmul %get3A_1, %get3A_4, %dot_general3A {dimension_numbers = #tpu.dot_dimension_numbers<[1], [0], [0], [1], [0, 0, 1, 1], [], []>, transpose_lhs_hint = false} : vector<1024x2048xf32>, vector<2048x16xf32>, vector<1024x16xf32> -> vector<1024x16xf32>
    %logistic3A = arith.negf %dot_general3A_5 : vector<1024x16xf32>
    %logistic3A_6 = math.exp %logistic3A : vector<1024x16xf32>
    %logistic3A_7 = arith.constant 1.000000e+00 : f32
    %logistic3A_8 = vector.broadcast %logistic3A_7 : f32 to vector<1024x16xf32>
    %logistic3A_9 = arith.addf %logistic3A_8, %logistic3A_6 : vector<1024x16xf32>
    %logistic3A_10 = arith.divf %logistic3A_8, %logistic3A_9 : vector<1024x16xf32>
    %get3A_11 = arith.constant 0 : index
    %get3A_12 = arith.constant 0 : index
    %get3A_13 = vector.load %arg2[%get3A_11, %get3A_12] : memref<1x16xf32, #tpu.memory_space<vmem>>, vector<1x16xf32>
    %add3A = vector.broadcast %get3A_13 : vector<1x16xf32> to vector<1024x16xf32>
    %add3A_14 = arith.addf %logistic3A_10, %add3A : vector<1024x16xf32>
    %iota3A = tpu.iota {dimensions = array<i32: 0>} : vector<16x16xi32>
    %iota3A_15 = tpu.iota {dimensions = array<i32: 1>} : vector<16x16xi32>
    %jit3A = arith.constant 4 : i32
    %div3A = vector.broadcast %jit3A : i32 to vector<16x16xi32>
    %div3A_16 = arith.divsi %iota3A_15, %div3A : vector<16x16xi32>
    %sign3A = arith.constant 0 : i32
    %sign3A_17 = vector.broadcast %sign3A : i32 to vector<16x16xi32>
    %sign3A_18 = arith.cmpi sgt, %iota3A_15, %sign3A_17 : vector<16x16xi32>
    %sign3A_19 = arith.extui %sign3A_18 : vector<16x16xi1> to vector<16x16xi32>
    %sign3A_20 = arith.constant 0 : i32
    %sign3A_21 = vector.broadcast %sign3A_20 : i32 to vector<16x16xi32>
    %sign3A_22 = arith.cmpi slt, %iota3A_15, %sign3A_21 : vector<16x16xi32>
    %sign3A_23 = arith.extui %sign3A_22 : vector<16x16xi1> to vector<16x16xi32>
    %sign3A_24 = arith.subi %sign3A_19, %sign3A_23 : vector<16x16xi32>
    %sign3A_25 = arith.constant 0 : i32
    %sign3A_26 = arith.cmpi sgt, %jit3A, %sign3A_25 : i32
    %sign3A_27 = arith.extui %sign3A_26 : i1 to i32
    %sign3A_28 = arith.constant 0 : i32
    %sign3A_29 = arith.cmpi slt, %jit3A, %sign3A_28 : i32
    %sign3A_30 = arith.extui %sign3A_29 : i1 to i32
    %sign3A_31 = arith.subi %sign3A_27, %sign3A_30 : i32
    %ne3A = vector.broadcast %sign3A_31 : i32 to vector<16x16xi32>
    %ne3A_32 = arith.cmpi ne, %sign3A_24, %ne3A : vector<16x16xi32>
    %rem3A = vector.broadcast %jit3A : i32 to vector<16x16xi32>
    %rem3A_33 = arith.remsi %iota3A_15, %rem3A : vector<16x16xi32>
    %ne3A_34 = arith.constant 0 : i32
    %ne3A_35 = vector.broadcast %ne3A_34 : i32 to vector<16x16xi32>
    %ne3A_36 = arith.cmpi ne, %rem3A_33, %ne3A_35 : vector<16x16xi32>
    %and3A = arith.andi %ne3A_32, %ne3A_36 : vector<16x16xi1>
    %sub3A = arith.constant 1 : i32
    %sub3A_37 = vector.broadcast %sub3A : i32 to vector<16x16xi32>
    %sub3A_38 = arith.subi %div3A_16, %sub3A_37 : vector<16x16xi32>
    %select_n3A = arith.select %and3A, %sub3A_38, %div3A_16 : vector<16x16xi1>, vector<16x16xi32>
    %mul3A = arith.constant 4 : i32
    %mul3A_39 = vector.broadcast %mul3A : i32 to vector<16x16xi32>
    %mul3A_40 = arith.muli %select_n3A, %mul3A_39 : vector<16x16xi32>
    %jit3A_41 = arith.constant 4 : i32
    %eq3A = arith.constant 0 : i32
    %eq3A_42 = arith.cmpi eq, %jit3A_41, %eq3A : i32
    %jit3A_43 = arith.constant 1 : i32
    %select_n3A_44 = arith.select %eq3A_42, %jit3A_43, %jit3A_41 : i32
    %rem3A_45 = vector.broadcast %select_n3A_44 : i32 to vector<16x16xi32>
    %rem3A_46 = arith.remsi %iota3A_15, %rem3A_45 : vector<16x16xi32>
    %ne3A_47 = arith.constant 0 : i32
    %ne3A_48 = vector.broadcast %ne3A_47 : i32 to vector<16x16xi32>
    %ne3A_49 = arith.cmpi ne, %rem3A_46, %ne3A_48 : vector<16x16xi32>
    %lt3A = arith.constant 0 : i32
    %lt3A_50 = vector.broadcast %lt3A : i32 to vector<16x16xi32>
    %lt3A_51 = arith.cmpi slt, %rem3A_46, %lt3A_50 : vector<16x16xi32>
    %lt3A_52 = arith.constant 0 : i32
    %lt3A_53 = arith.cmpi slt, %select_n3A_44, %lt3A_52 : i32
    %ne3A_54 = vector.broadcast %lt3A_53 : i1 to vector<16x16xi1>
    %ne3A_55 = vector.broadcast %ne3A_54 : vector<16x16xi1> to vector<16x16xi1>
    %ne3A_56 = arith.xori %lt3A_51, %ne3A_55 : vector<16x16xi1>
    %and3A_57 = arith.andi %ne3A_56, %ne3A_49 : vector<16x16xi1>
    %add3A_58 = vector.broadcast %select_n3A_44 : i32 to vector<16x16xi32>
    %add3A_59 = arith.addi %rem3A_46, %add3A_58 : vector<16x16xi32>
    %select_n3A_60 = arith.select %and3A_57, %add3A_59, %rem3A_46 : vector<16x16xi1>, vector<16x16xi32>
    %add3A_61 = arith.constant 1 : i32
    %add3A_62 = vector.broadcast %add3A_61 : i32 to vector<16x16xi32>
    %add3A_63 = arith.addi %select_n3A_60, %add3A_62 : vector<16x16xi32>
    %jit3A_64 = arith.constant 4 : i32
    %eq3A_65 = arith.constant 0 : i32
    %eq3A_66 = arith.cmpi eq, %jit3A_64, %eq3A_65 : i32
    %jit3A_67 = arith.constant 1 : i32
    %select_n3A_68 = arith.select %eq3A_66, %jit3A_67, %jit3A_64 : i32
    %rem3A_69 = vector.broadcast %select_n3A_68 : i32 to vector<16x16xi32>
    %rem3A_70 = arith.remsi %add3A_63, %rem3A_69 : vector<16x16xi32>
    %ne3A_71 = arith.constant 0 : i32
    %ne3A_72 = vector.broadcast %ne3A_71 : i32 to vector<16x16xi32>
    %ne3A_73 = arith.cmpi ne, %rem3A_70, %ne3A_72 : vector<16x16xi32>
    %lt3A_74 = arith.constant 0 : i32
    %lt3A_75 = vector.broadcast %lt3A_74 : i32 to vector<16x16xi32>
    %lt3A_76 = arith.cmpi slt, %rem3A_70, %lt3A_75 : vector<16x16xi32>
    %lt3A_77 = arith.constant 0 : i32
    %lt3A_78 = arith.cmpi slt, %select_n3A_68, %lt3A_77 : i32
    %ne3A_79 = vector.broadcast %lt3A_78 : i1 to vector<16x16xi1>
    %ne3A_80 = vector.broadcast %ne3A_79 : vector<16x16xi1> to vector<16x16xi1>
    %ne3A_81 = arith.xori %lt3A_76, %ne3A_80 : vector<16x16xi1>
    %and3A_82 = arith.andi %ne3A_81, %ne3A_73 : vector<16x16xi1>
    %add3A_83 = vector.broadcast %select_n3A_68 : i32 to vector<16x16xi32>
    %add3A_84 = arith.addi %rem3A_70, %add3A_83 : vector<16x16xi32>
    %select_n3A_85 = arith.select %and3A_82, %add3A_84, %rem3A_70 : vector<16x16xi1>, vector<16x16xi32>
    %add3A_86 = arith.addi %mul3A_40, %select_n3A_85 : vector<16x16xi32>
    %eq3A_87 = arith.cmpi eq, %iota3A, %add3A_86 : vector<16x16xi32>
    %convert_element_type3A = arith.extui %eq3A_87 : vector<16x16xi1> to vector<16x16xi32>
    %convert_element_type3A_88 = arith.sitofp %convert_element_type3A : vector<16x16xi32> to vector<16x16xf32>
    %dot_general3A_89 = arith.constant dense<0.000000e+00> : vector<1024x16xf32>
    %dot_general3A_90 = tpu.matmul %add3A_14, %convert_element_type3A_88, %dot_general3A_89 {dimension_numbers = #tpu.dot_dimension_numbers<[1], [0], [0], [1], [0, 0, 1, 1], [], []>, precision = #tpu.contract_precision<fp32>, transpose_lhs_hint = false} : vector<1024x16xf32>, vector<16x16xf32>, vector<1024x16xf32> -> vector<1024x16xf32>
    %add3A_91 = arith.addf %add3A_14, %dot_general3A_90 : vector<1024x16xf32>
    %jit3A_92 = arith.constant 4 : i32
    %div3A_93 = vector.broadcast %jit3A_92 : i32 to vector<16x16xi32>
    %div3A_94 = arith.divsi %iota3A_15, %div3A_93 : vector<16x16xi32>
    %sign3A_95 = arith.constant 0 : i32
    %sign3A_96 = vector.broadcast %sign3A_95 : i32 to vector<16x16xi32>
    %sign3A_97 = arith.cmpi sgt, %iota3A_15, %sign3A_96 : vector<16x16xi32>
    %sign3A_98 = arith.extui %sign3A_97 : vector<16x16xi1> to vector<16x16xi32>
    %sign3A_99 = arith.constant 0 : i32
    %sign3A_100 = vector.broadcast %sign3A_99 : i32 to vector<16x16xi32>
    %sign3A_101 = arith.cmpi slt, %iota3A_15, %sign3A_100 : vector<16x16xi32>
    %sign3A_102 = arith.extui %sign3A_101 : vector<16x16xi1> to vector<16x16xi32>
    %sign3A_103 = arith.subi %sign3A_98, %sign3A_102 : vector<16x16xi32>
    %sign3A_104 = arith.constant 0 : i32
    %sign3A_105 = arith.cmpi sgt, %jit3A_92, %sign3A_104 : i32
    %sign3A_106 = arith.extui %sign3A_105 : i1 to i32
    %sign3A_107 = arith.constant 0 : i32
    %sign3A_108 = arith.cmpi slt, %jit3A_92, %sign3A_107 : i32
    %sign3A_109 = arith.extui %sign3A_108 : i1 to i32
    %sign3A_110 = arith.subi %sign3A_106, %sign3A_109 : i32
    %ne3A_111 = vector.broadcast %sign3A_110 : i32 to vector<16x16xi32>
    %ne3A_112 = arith.cmpi ne, %sign3A_103, %ne3A_111 : vector<16x16xi32>
    %rem3A_113 = vector.broadcast %jit3A_92 : i32 to vector<16x16xi32>
    %rem3A_114 = arith.remsi %iota3A_15, %rem3A_113 : vector<16x16xi32>
    %ne3A_115 = arith.constant 0 : i32
    %ne3A_116 = vector.broadcast %ne3A_115 : i32 to vector<16x16xi32>
    %ne3A_117 = arith.cmpi ne, %rem3A_114, %ne3A_116 : vector<16x16xi32>
    %and3A_118 = arith.andi %ne3A_112, %ne3A_117 : vector<16x16xi1>
    %sub3A_119 = arith.constant 1 : i32
    %sub3A_120 = vector.broadcast %sub3A_119 : i32 to vector<16x16xi32>
    %sub3A_121 = arith.subi %div3A_94, %sub3A_120 : vector<16x16xi32>
    %select_n3A_122 = arith.select %and3A_118, %sub3A_121, %div3A_94 : vector<16x16xi1>, vector<16x16xi32>
    %mul3A_123 = arith.constant 4 : i32
    %mul3A_124 = vector.broadcast %mul3A_123 : i32 to vector<16x16xi32>
    %mul3A_125 = arith.muli %select_n3A_122, %mul3A_124 : vector<16x16xi32>
    %jit3A_126 = arith.constant 4 : i32
    %eq3A_127 = arith.constant 0 : i32
    %eq3A_128 = arith.cmpi eq, %jit3A_126, %eq3A_127 : i32
    %jit3A_129 = arith.constant 1 : i32
    %select_n3A_130 = arith.select %eq3A_128, %jit3A_129, %jit3A_126 : i32
    %rem3A_131 = vector.broadcast %select_n3A_130 : i32 to vector<16x16xi32>
    %rem3A_132 = arith.remsi %iota3A_15, %rem3A_131 : vector<16x16xi32>
    %ne3A_133 = arith.constant 0 : i32
    %ne3A_134 = vector.broadcast %ne3A_133 : i32 to vector<16x16xi32>
    %ne3A_135 = arith.cmpi ne, %rem3A_132, %ne3A_134 : vector<16x16xi32>
    %lt3A_136 = arith.constant 0 : i32
    %lt3A_137 = vector.broadcast %lt3A_136 : i32 to vector<16x16xi32>
    %lt3A_138 = arith.cmpi slt, %rem3A_132, %lt3A_137 : vector<16x16xi32>
    %lt3A_139 = arith.constant 0 : i32
    %lt3A_140 = arith.cmpi slt, %select_n3A_130, %lt3A_139 : i32
    %ne3A_141 = vector.broadcast %lt3A_140 : i1 to vector<16x16xi1>
    %ne3A_142 = vector.broadcast %ne3A_141 : vector<16x16xi1> to vector<16x16xi1>
    %ne3A_143 = arith.xori %lt3A_138, %ne3A_142 : vector<16x16xi1>
    %and3A_144 = arith.andi %ne3A_143, %ne3A_135 : vector<16x16xi1>
    %add3A_145 = vector.broadcast %select_n3A_130 : i32 to vector<16x16xi32>
    %add3A_146 = arith.addi %rem3A_132, %add3A_145 : vector<16x16xi32>
    %select_n3A_147 = arith.select %and3A_144, %add3A_146, %rem3A_132 : vector<16x16xi1>, vector<16x16xi32>
    %add3A_148 = arith.constant 2 : i32
    %add3A_149 = vector.broadcast %add3A_148 : i32 to vector<16x16xi32>
    %add3A_150 = arith.addi %select_n3A_147, %add3A_149 : vector<16x16xi32>
    %jit3A_151 = arith.constant 4 : i32
    %eq3A_152 = arith.constant 0 : i32
    %eq3A_153 = arith.cmpi eq, %jit3A_151, %eq3A_152 : i32
    %jit3A_154 = arith.constant 1 : i32
    %select_n3A_155 = arith.select %eq3A_153, %jit3A_154, %jit3A_151 : i32
    %rem3A_156 = vector.broadcast %select_n3A_155 : i32 to vector<16x16xi32>
    %rem3A_157 = arith.remsi %add3A_150, %rem3A_156 : vector<16x16xi32>
    %ne3A_158 = arith.constant 0 : i32
    %ne3A_159 = vector.broadcast %ne3A_158 : i32 to vector<16x16xi32>
    %ne3A_160 = arith.cmpi ne, %rem3A_157, %ne3A_159 : vector<16x16xi32>
    %lt3A_161 = arith.constant 0 : i32
    %lt3A_162 = vector.broadcast %lt3A_161 : i32 to vector<16x16xi32>
    %lt3A_163 = arith.cmpi slt, %rem3A_157, %lt3A_162 : vector<16x16xi32>
    %lt3A_164 = arith.constant 0 : i32
    %lt3A_165 = arith.cmpi slt, %select_n3A_155, %lt3A_164 : i32
    %ne3A_166 = vector.broadcast %lt3A_165 : i1 to vector<16x16xi1>
    %ne3A_167 = vector.broadcast %ne3A_166 : vector<16x16xi1> to vector<16x16xi1>
    %ne3A_168 = arith.xori %lt3A_163, %ne3A_167 : vector<16x16xi1>
    %and3A_169 = arith.andi %ne3A_168, %ne3A_160 : vector<16x16xi1>
    %add3A_170 = vector.broadcast %select_n3A_155 : i32 to vector<16x16xi32>
    %add3A_171 = arith.addi %rem3A_157, %add3A_170 : vector<16x16xi32>
    %select_n3A_172 = arith.select %and3A_169, %add3A_171, %rem3A_157 : vector<16x16xi1>, vector<16x16xi32>
    %add3A_173 = arith.addi %mul3A_125, %select_n3A_172 : vector<16x16xi32>
    %eq3A_174 = arith.cmpi eq, %iota3A, %add3A_173 : vector<16x16xi32>
    %convert_element_type3A_175 = arith.extui %eq3A_174 : vector<16x16xi1> to vector<16x16xi32>
    %convert_element_type3A_176 = arith.sitofp %convert_element_type3A_175 : vector<16x16xi32> to vector<16x16xf32>
    %dot_general3A_177 = arith.constant dense<0.000000e+00> : vector<1024x16xf32>
    %dot_general3A_178 = tpu.matmul %add3A_14, %convert_element_type3A_176, %dot_general3A_177 {dimension_numbers = #tpu.dot_dimension_numbers<[1], [0], [0], [1], [0, 0, 1, 1], [], []>, precision = #tpu.contract_precision<fp32>, transpose_lhs_hint = false} : vector<1024x16xf32>, vector<16x16xf32>, vector<1024x16xf32> -> vector<1024x16xf32>
    %add3A_179 = arith.addf %add3A_14, %dot_general3A_178 : vector<1024x16xf32>
    %max3A = arith.maximumf %add3A_91, %add3A_179 : vector<1024x16xf32>
    %jit3A_180 = arith.constant 4 : i32
    %div3A_181 = vector.broadcast %jit3A_180 : i32 to vector<16x16xi32>
    %div3A_182 = arith.divsi %iota3A_15, %div3A_181 : vector<16x16xi32>
    %sign3A_183 = arith.constant 0 : i32
    %sign3A_184 = vector.broadcast %sign3A_183 : i32 to vector<16x16xi32>
    %sign3A_185 = arith.cmpi sgt, %iota3A_15, %sign3A_184 : vector<16x16xi32>
    %sign3A_186 = arith.extui %sign3A_185 : vector<16x16xi1> to vector<16x16xi32>
    %sign3A_187 = arith.constant 0 : i32
    %sign3A_188 = vector.broadcast %sign3A_187 : i32 to vector<16x16xi32>
    %sign3A_189 = arith.cmpi slt, %iota3A_15, %sign3A_188 : vector<16x16xi32>
    %sign3A_190 = arith.extui %sign3A_189 : vector<16x16xi1> to vector<16x16xi32>
    %sign3A_191 = arith.subi %sign3A_186, %sign3A_190 : vector<16x16xi32>
    %sign3A_192 = arith.constant 0 : i32
    %sign3A_193 = arith.cmpi sgt, %jit3A_180, %sign3A_192 : i32
    %sign3A_194 = arith.extui %sign3A_193 : i1 to i32
    %sign3A_195 = arith.constant 0 : i32
    %sign3A_196 = arith.cmpi slt, %jit3A_180, %sign3A_195 : i32
    %sign3A_197 = arith.extui %sign3A_196 : i1 to i32
    %sign3A_198 = arith.subi %sign3A_194, %sign3A_197 : i32
    %ne3A_199 = vector.broadcast %sign3A_198 : i32 to vector<16x16xi32>
    %ne3A_200 = arith.cmpi ne, %sign3A_191, %ne3A_199 : vector<16x16xi32>
    %rem3A_201 = vector.broadcast %jit3A_180 : i32 to vector<16x16xi32>
    %rem3A_202 = arith.remsi %iota3A_15, %rem3A_201 : vector<16x16xi32>
    %ne3A_203 = arith.constant 0 : i32
    %ne3A_204 = vector.broadcast %ne3A_203 : i32 to vector<16x16xi32>
    %ne3A_205 = arith.cmpi ne, %rem3A_202, %ne3A_204 : vector<16x16xi32>
    %and3A_206 = arith.andi %ne3A_200, %ne3A_205 : vector<16x16xi1>
    %sub3A_207 = arith.constant 1 : i32
    %sub3A_208 = vector.broadcast %sub3A_207 : i32 to vector<16x16xi32>
    %sub3A_209 = arith.subi %div3A_182, %sub3A_208 : vector<16x16xi32>
    %select_n3A_210 = arith.select %and3A_206, %sub3A_209, %div3A_182 : vector<16x16xi1>, vector<16x16xi32>
    %mul3A_211 = arith.constant 4 : i32
    %mul3A_212 = vector.broadcast %mul3A_211 : i32 to vector<16x16xi32>
    %mul3A_213 = arith.muli %select_n3A_210, %mul3A_212 : vector<16x16xi32>
    %jit3A_214 = arith.constant 4 : i32
    %eq3A_215 = arith.constant 0 : i32
    %eq3A_216 = arith.cmpi eq, %jit3A_214, %eq3A_215 : i32
    %jit3A_217 = arith.constant 1 : i32
    %select_n3A_218 = arith.select %eq3A_216, %jit3A_217, %jit3A_214 : i32
    %rem3A_219 = vector.broadcast %select_n3A_218 : i32 to vector<16x16xi32>
    %rem3A_220 = arith.remsi %iota3A_15, %rem3A_219 : vector<16x16xi32>
    %ne3A_221 = arith.constant 0 : i32
    %ne3A_222 = vector.broadcast %ne3A_221 : i32 to vector<16x16xi32>
    %ne3A_223 = arith.cmpi ne, %rem3A_220, %ne3A_222 : vector<16x16xi32>
    %lt3A_224 = arith.constant 0 : i32
    %lt3A_225 = vector.broadcast %lt3A_224 : i32 to vector<16x16xi32>
    %lt3A_226 = arith.cmpi slt, %rem3A_220, %lt3A_225 : vector<16x16xi32>
    %lt3A_227 = arith.constant 0 : i32
    %lt3A_228 = arith.cmpi slt, %select_n3A_218, %lt3A_227 : i32
    %ne3A_229 = vector.broadcast %lt3A_228 : i1 to vector<16x16xi1>
    %ne3A_230 = vector.broadcast %ne3A_229 : vector<16x16xi1> to vector<16x16xi1>
    %ne3A_231 = arith.xori %lt3A_226, %ne3A_230 : vector<16x16xi1>
    %and3A_232 = arith.andi %ne3A_231, %ne3A_223 : vector<16x16xi1>
    %add3A_233 = vector.broadcast %select_n3A_218 : i32 to vector<16x16xi32>
    %add3A_234 = arith.addi %rem3A_220, %add3A_233 : vector<16x16xi32>
    %select_n3A_235 = arith.select %and3A_232, %add3A_234, %rem3A_220 : vector<16x16xi1>, vector<16x16xi32>
    %add3A_236 = arith.constant 1 : i32
    %add3A_237 = vector.broadcast %add3A_236 : i32 to vector<16x16xi32>
    %add3A_238 = arith.addi %select_n3A_235, %add3A_237 : vector<16x16xi32>
    %jit3A_239 = arith.constant 4 : i32
    %eq3A_240 = arith.constant 0 : i32
    %eq3A_241 = arith.cmpi eq, %jit3A_239, %eq3A_240 : i32
    %jit3A_242 = arith.constant 1 : i32
    %select_n3A_243 = arith.select %eq3A_241, %jit3A_242, %jit3A_239 : i32
    %rem3A_244 = vector.broadcast %select_n3A_243 : i32 to vector<16x16xi32>
    %rem3A_245 = arith.remsi %add3A_238, %rem3A_244 : vector<16x16xi32>
    %ne3A_246 = arith.constant 0 : i32
    %ne3A_247 = vector.broadcast %ne3A_246 : i32 to vector<16x16xi32>
    %ne3A_248 = arith.cmpi ne, %rem3A_245, %ne3A_247 : vector<16x16xi32>
    %lt3A_249 = arith.constant 0 : i32
    %lt3A_250 = vector.broadcast %lt3A_249 : i32 to vector<16x16xi32>
    %lt3A_251 = arith.cmpi slt, %rem3A_245, %lt3A_250 : vector<16x16xi32>
    %lt3A_252 = arith.constant 0 : i32
    %lt3A_253 = arith.cmpi slt, %select_n3A_243, %lt3A_252 : i32
    %ne3A_254 = vector.broadcast %lt3A_253 : i1 to vector<16x16xi1>
    %ne3A_255 = vector.broadcast %ne3A_254 : vector<16x16xi1> to vector<16x16xi1>
    %ne3A_256 = arith.xori %lt3A_251, %ne3A_255 : vector<16x16xi1>
    %and3A_257 = arith.andi %ne3A_256, %ne3A_248 : vector<16x16xi1>
    %add3A_258 = vector.broadcast %select_n3A_243 : i32 to vector<16x16xi32>
    %add3A_259 = arith.addi %rem3A_245, %add3A_258 : vector<16x16xi32>
    %select_n3A_260 = arith.select %and3A_257, %add3A_259, %rem3A_245 : vector<16x16xi1>, vector<16x16xi32>
    %add3A_261 = arith.addi %mul3A_213, %select_n3A_260 : vector<16x16xi32>
    %eq3A_262 = arith.cmpi eq, %iota3A, %add3A_261 : vector<16x16xi32>
    %convert_element_type3A_263 = arith.extui %eq3A_262 : vector<16x16xi1> to vector<16x16xi32>
    %convert_element_type3A_264 = arith.sitofp %convert_element_type3A_263 : vector<16x16xi32> to vector<16x16xf32>
    %dot_general3A_265 = arith.constant dense<0.000000e+00> : vector<1024x16xf32>
    %dot_general3A_266 = tpu.matmul %max3A, %convert_element_type3A_264, %dot_general3A_265 {dimension_numbers = #tpu.dot_dimension_numbers<[1], [0], [0], [1], [0, 0, 1, 1], [], []>, precision = #tpu.contract_precision<fp32>, transpose_lhs_hint = false} : vector<1024x16xf32>, vector<16x16xf32>, vector<1024x16xf32> -> vector<1024x16xf32>
    %max3A_267 = arith.maximumf %max3A, %dot_general3A_266 : vector<1024x16xf32>
    %jit3A_268 = arith.constant 4 : i32
    %div3A_269 = vector.broadcast %jit3A_268 : i32 to vector<16x16xi32>
    %div3A_270 = arith.divsi %iota3A_15, %div3A_269 : vector<16x16xi32>
    %sign3A_271 = arith.constant 0 : i32
    %sign3A_272 = vector.broadcast %sign3A_271 : i32 to vector<16x16xi32>
    %sign3A_273 = arith.cmpi sgt, %iota3A_15, %sign3A_272 : vector<16x16xi32>
    %sign3A_274 = arith.extui %sign3A_273 : vector<16x16xi1> to vector<16x16xi32>
    %sign3A_275 = arith.constant 0 : i32
    %sign3A_276 = vector.broadcast %sign3A_275 : i32 to vector<16x16xi32>
    %sign3A_277 = arith.cmpi slt, %iota3A_15, %sign3A_276 : vector<16x16xi32>
    %sign3A_278 = arith.extui %sign3A_277 : vector<16x16xi1> to vector<16x16xi32>
    %sign3A_279 = arith.subi %sign3A_274, %sign3A_278 : vector<16x16xi32>
    %sign3A_280 = arith.constant 0 : i32
    %sign3A_281 = arith.cmpi sgt, %jit3A_268, %sign3A_280 : i32
    %sign3A_282 = arith.extui %sign3A_281 : i1 to i32
    %sign3A_283 = arith.constant 0 : i32
    %sign3A_284 = arith.cmpi slt, %jit3A_268, %sign3A_283 : i32
    %sign3A_285 = arith.extui %sign3A_284 : i1 to i32
    %sign3A_286 = arith.subi %sign3A_282, %sign3A_285 : i32
    %ne3A_287 = vector.broadcast %sign3A_286 : i32 to vector<16x16xi32>
    %ne3A_288 = arith.cmpi ne, %sign3A_279, %ne3A_287 : vector<16x16xi32>
    %rem3A_289 = vector.broadcast %jit3A_268 : i32 to vector<16x16xi32>
    %rem3A_290 = arith.remsi %iota3A_15, %rem3A_289 : vector<16x16xi32>
    %ne3A_291 = arith.constant 0 : i32
    %ne3A_292 = vector.broadcast %ne3A_291 : i32 to vector<16x16xi32>
    %ne3A_293 = arith.cmpi ne, %rem3A_290, %ne3A_292 : vector<16x16xi32>
    %and3A_294 = arith.andi %ne3A_288, %ne3A_293 : vector<16x16xi1>
    %sub3A_295 = arith.constant 1 : i32
    %sub3A_296 = vector.broadcast %sub3A_295 : i32 to vector<16x16xi32>
    %sub3A_297 = arith.subi %div3A_270, %sub3A_296 : vector<16x16xi32>
    %select_n3A_298 = arith.select %and3A_294, %sub3A_297, %div3A_270 : vector<16x16xi1>, vector<16x16xi32>
    %mul3A_299 = arith.constant 4 : i32
    %mul3A_300 = vector.broadcast %mul3A_299 : i32 to vector<16x16xi32>
    %mul3A_301 = arith.muli %select_n3A_298, %mul3A_300 : vector<16x16xi32>
    %jit3A_302 = arith.constant 4 : i32
    %eq3A_303 = arith.constant 0 : i32
    %eq3A_304 = arith.cmpi eq, %jit3A_302, %eq3A_303 : i32
    %jit3A_305 = arith.constant 1 : i32
    %select_n3A_306 = arith.select %eq3A_304, %jit3A_305, %jit3A_302 : i32
    %rem3A_307 = vector.broadcast %select_n3A_306 : i32 to vector<16x16xi32>
    %rem3A_308 = arith.remsi %iota3A_15, %rem3A_307 : vector<16x16xi32>
    %ne3A_309 = arith.constant 0 : i32
    %ne3A_310 = vector.broadcast %ne3A_309 : i32 to vector<16x16xi32>
    %ne3A_311 = arith.cmpi ne, %rem3A_308, %ne3A_310 : vector<16x16xi32>
    %lt3A_312 = arith.constant 0 : i32
    %lt3A_313 = vector.broadcast %lt3A_312 : i32 to vector<16x16xi32>
    %lt3A_314 = arith.cmpi slt, %rem3A_308, %lt3A_313 : vector<16x16xi32>
    %lt3A_315 = arith.constant 0 : i32
    %lt3A_316 = arith.cmpi slt, %select_n3A_306, %lt3A_315 : i32
    %ne3A_317 = vector.broadcast %lt3A_316 : i1 to vector<16x16xi1>
    %ne3A_318 = vector.broadcast %ne3A_317 : vector<16x16xi1> to vector<16x16xi1>
    %ne3A_319 = arith.xori %lt3A_314, %ne3A_318 : vector<16x16xi1>
    %and3A_320 = arith.andi %ne3A_319, %ne3A_311 : vector<16x16xi1>
    %add3A_321 = vector.broadcast %select_n3A_306 : i32 to vector<16x16xi32>
    %add3A_322 = arith.addi %rem3A_308, %add3A_321 : vector<16x16xi32>
    %select_n3A_323 = arith.select %and3A_320, %add3A_322, %rem3A_308 : vector<16x16xi1>, vector<16x16xi32>
    %add3A_324 = arith.constant 2 : i32
    %add3A_325 = vector.broadcast %add3A_324 : i32 to vector<16x16xi32>
    %add3A_326 = arith.addi %select_n3A_323, %add3A_325 : vector<16x16xi32>
    %jit3A_327 = arith.constant 4 : i32
    %eq3A_328 = arith.constant 0 : i32
    %eq3A_329 = arith.cmpi eq, %jit3A_327, %eq3A_328 : i32
    %jit3A_330 = arith.constant 1 : i32
    %select_n3A_331 = arith.select %eq3A_329, %jit3A_330, %jit3A_327 : i32
    %rem3A_332 = vector.broadcast %select_n3A_331 : i32 to vector<16x16xi32>
    %rem3A_333 = arith.remsi %add3A_326, %rem3A_332 : vector<16x16xi32>
    %ne3A_334 = arith.constant 0 : i32
    %ne3A_335 = vector.broadcast %ne3A_334 : i32 to vector<16x16xi32>
    %ne3A_336 = arith.cmpi ne, %rem3A_333, %ne3A_335 : vector<16x16xi32>
    %lt3A_337 = arith.constant 0 : i32
    %lt3A_338 = vector.broadcast %lt3A_337 : i32 to vector<16x16xi32>
    %lt3A_339 = arith.cmpi slt, %rem3A_333, %lt3A_338 : vector<16x16xi32>
    %lt3A_340 = arith.constant 0 : i32
    %lt3A_341 = arith.cmpi slt, %select_n3A_331, %lt3A_340 : i32
    %ne3A_342 = vector.broadcast %lt3A_341 : i1 to vector<16x16xi1>
    %ne3A_343 = vector.broadcast %ne3A_342 : vector<16x16xi1> to vector<16x16xi1>
    %ne3A_344 = arith.xori %lt3A_339, %ne3A_343 : vector<16x16xi1>
    %and3A_345 = arith.andi %ne3A_344, %ne3A_336 : vector<16x16xi1>
    %add3A_346 = vector.broadcast %select_n3A_331 : i32 to vector<16x16xi32>
    %add3A_347 = arith.addi %rem3A_333, %add3A_346 : vector<16x16xi32>
    %select_n3A_348 = arith.select %and3A_345, %add3A_347, %rem3A_333 : vector<16x16xi1>, vector<16x16xi32>
    %add3A_349 = arith.addi %mul3A_301, %select_n3A_348 : vector<16x16xi32>
    %eq3A_350 = arith.cmpi eq, %iota3A, %add3A_349 : vector<16x16xi32>
    %convert_element_type3A_351 = arith.extui %eq3A_350 : vector<16x16xi1> to vector<16x16xi32>
    %convert_element_type3A_352 = arith.sitofp %convert_element_type3A_351 : vector<16x16xi32> to vector<16x16xf32>
    %dot_general3A_353 = arith.constant dense<0.000000e+00> : vector<1024x16xf32>
    %dot_general3A_354 = tpu.matmul %max3A_267, %convert_element_type3A_352, %dot_general3A_353 {dimension_numbers = #tpu.dot_dimension_numbers<[1], [0], [0], [1], [0, 0, 1, 1], [], []>, precision = #tpu.contract_precision<fp32>, transpose_lhs_hint = false} : vector<1024x16xf32>, vector<16x16xf32>, vector<1024x16xf32> -> vector<1024x16xf32>
    %max3A_355 = arith.maximumf %max3A_267, %dot_general3A_354 : vector<1024x16xf32>
    %iota3A_356 = tpu.iota {dimensions = array<i32: 1>} : vector<1024x16xi32>
    %jit3A_357 = arith.constant 4 : i32
    %div3A_358 = vector.broadcast %jit3A_357 : i32 to vector<1024x16xi32>
    %div3A_359 = arith.divsi %iota3A_356, %div3A_358 : vector<1024x16xi32>
    %sign3A_360 = arith.constant 0 : i32
    %sign3A_361 = vector.broadcast %sign3A_360 : i32 to vector<1024x16xi32>
    %sign3A_362 = arith.cmpi sgt, %iota3A_356, %sign3A_361 : vector<1024x16xi32>
    %sign3A_363 = arith.extui %sign3A_362 : vector<1024x16xi1> to vector<1024x16xi32>
    %sign3A_364 = arith.constant 0 : i32
    %sign3A_365 = vector.broadcast %sign3A_364 : i32 to vector<1024x16xi32>
    %sign3A_366 = arith.cmpi slt, %iota3A_356, %sign3A_365 : vector<1024x16xi32>
    %sign3A_367 = arith.extui %sign3A_366 : vector<1024x16xi1> to vector<1024x16xi32>
    %sign3A_368 = arith.subi %sign3A_363, %sign3A_367 : vector<1024x16xi32>
    %sign3A_369 = arith.constant 0 : i32
    %sign3A_370 = arith.cmpi sgt, %jit3A_357, %sign3A_369 : i32
    %sign3A_371 = arith.extui %sign3A_370 : i1 to i32
    %sign3A_372 = arith.constant 0 : i32
    %sign3A_373 = arith.cmpi slt, %jit3A_357, %sign3A_372 : i32
    %sign3A_374 = arith.extui %sign3A_373 : i1 to i32
    %sign3A_375 = arith.subi %sign3A_371, %sign3A_374 : i32
    %ne3A_376 = vector.broadcast %sign3A_375 : i32 to vector<1024x16xi32>
    %ne3A_377 = arith.cmpi ne, %sign3A_368, %ne3A_376 : vector<1024x16xi32>
    %rem3A_378 = vector.broadcast %jit3A_357 : i32 to vector<1024x16xi32>
    %rem3A_379 = arith.remsi %iota3A_356, %rem3A_378 : vector<1024x16xi32>
    %ne3A_380 = arith.constant 0 : i32
    %ne3A_381 = vector.broadcast %ne3A_380 : i32 to vector<1024x16xi32>
    %ne3A_382 = arith.cmpi ne, %rem3A_379, %ne3A_381 : vector<1024x16xi32>
    %and3A_383 = arith.andi %ne3A_377, %ne3A_382 : vector<1024x16xi1>
    %sub3A_384 = arith.constant 1 : i32
    %sub3A_385 = vector.broadcast %sub3A_384 : i32 to vector<1024x16xi32>
    %sub3A_386 = arith.subi %div3A_359, %sub3A_385 : vector<1024x16xi32>
    %select_n3A_387 = arith.select %and3A_383, %sub3A_386, %div3A_359 : vector<1024x16xi1>, vector<1024x16xi32>
    %reduce_max3A = arith.constant dense<0xFF800000> : vector<1024xf32>
    %reduce_max3A_388 = vector.multi_reduction <maximumf>, %max3A_355, %reduce_max3A [1] : vector<1024x16xf32> to vector<1024xf32>
    %broadcast_in_dim3A = vector.shape_cast %reduce_max3A_388 : vector<1024xf32> to vector<1024x1xf32>
    %eq3A_389 = vector.broadcast %broadcast_in_dim3A : vector<1024x1xf32> to vector<1024x16xf32>
    %eq3A_390 = arith.cmpf oeq, %max3A_355, %eq3A_389 : vector<1024x16xf32>
    %jit3A_391 = arith.constant 99 : i32
    %broadcast_in_dim3A_392 = vector.broadcast %jit3A_391 : i32 to vector<1024x16xi32>
    %select_n3A_393 = arith.select %eq3A_390, %select_n3A_387, %broadcast_in_dim3A_392 : vector<1024x16xi1>, vector<1024x16xi32>
    %reduce_min3A = arith.constant dense<2147483647> : vector<1024xi32>
    %reduce_min3A_394 = vector.multi_reduction <minsi>, %select_n3A_393, %reduce_min3A [1] : vector<1024x16xi32> to vector<1024xi32>
    %broadcast_in_dim3A_395 = vector.shape_cast %reduce_min3A_394 : vector<1024xi32> to vector<1024x1xi32>
    %eq3A_396 = vector.broadcast %broadcast_in_dim3A_395 : vector<1024x1xi32> to vector<1024x16xi32>
    %eq3A_397 = arith.cmpi eq, %select_n3A_387, %eq3A_396 : vector<1024x16xi32>
    %jit3A_398 = arith.constant -1.000000e+30 : f32
    %broadcast_in_dim3A_399 = vector.broadcast %jit3A_398 : f32 to vector<1024x16xf32>
    %select_n3A_400 = arith.select %eq3A_397, %broadcast_in_dim3A_399, %max3A_355 : vector<1024x16xi1>, vector<1024x16xf32>
    %reduce_max3A_401 = arith.constant dense<0xFF800000> : vector<1024xf32>
    %reduce_max3A_402 = vector.multi_reduction <maximumf>, %select_n3A_400, %reduce_max3A_401 [1] : vector<1024x16xf32> to vector<1024xf32>
    %broadcast_in_dim3A_403 = vector.shape_cast %reduce_max3A_402 : vector<1024xf32> to vector<1024x1xf32>
    %eq3A_404 = vector.broadcast %broadcast_in_dim3A_403 : vector<1024x1xf32> to vector<1024x16xf32>
    %eq3A_405 = arith.cmpf oeq, %select_n3A_400, %eq3A_404 : vector<1024x16xf32>
    %jit3A_406 = arith.constant 99 : i32
    %broadcast_in_dim3A_407 = vector.broadcast %jit3A_406 : i32 to vector<1024x16xi32>
    %select_n3A_408 = arith.select %eq3A_405, %select_n3A_387, %broadcast_in_dim3A_407 : vector<1024x16xi1>, vector<1024x16xi32>
    %reduce_min3A_409 = arith.constant dense<2147483647> : vector<1024xi32>
    %reduce_min3A_410 = vector.multi_reduction <minsi>, %select_n3A_408, %reduce_min3A_409 [1] : vector<1024x16xi32> to vector<1024xi32>
    %broadcast_in_dim3A_411 = vector.shape_cast %reduce_min3A_410 : vector<1024xi32> to vector<1024x1xi32>
    %eq3A_412 = vector.broadcast %broadcast_in_dim3A_395 : vector<1024x1xi32> to vector<1024x16xi32>
    %eq3A_413 = arith.cmpi eq, %select_n3A_387, %eq3A_412 : vector<1024x16xi32>
    %eq3A_414 = vector.broadcast %broadcast_in_dim3A_411 : vector<1024x1xi32> to vector<1024x16xi32>
    %eq3A_415 = arith.cmpi eq, %select_n3A_387, %eq3A_414 : vector<1024x16xi32>
    %or3A = arith.ori %eq3A_413, %eq3A_415 : vector<1024x16xi1>
    %jit3A_416 = arith.constant -1.000000e+09 : f32
    %broadcast_in_dim3A_417 = vector.broadcast %jit3A_416 : f32 to vector<1024x16xf32>
    %select_n3A_418 = arith.select %or3A, %add3A_14, %broadcast_in_dim3A_417 : vector<1024x16xi1>, vector<1024x16xf32>
    %reduce_max3A_419 = arith.constant dense<0xFF800000> : vector<1024xf32>
    %reduce_max3A_420 = vector.multi_reduction <maximumf>, %select_n3A_418, %reduce_max3A_419 [1] : vector<1024x16xf32> to vector<1024xf32>
    %broadcast_in_dim3A_421 = vector.shape_cast %reduce_max3A_420 : vector<1024xf32> to vector<1024x1xf32>
    %eq3A_422 = vector.broadcast %broadcast_in_dim3A_421 : vector<1024x1xf32> to vector<1024x16xf32>
    %eq3A_423 = arith.cmpf oeq, %select_n3A_418, %eq3A_422 : vector<1024x16xf32>
    %jit3A_424 = arith.constant 99 : i32
    %broadcast_in_dim3A_425 = vector.broadcast %jit3A_424 : i32 to vector<1024x16xi32>
    %select_n3A_426 = arith.select %eq3A_423, %iota3A_356, %broadcast_in_dim3A_425 : vector<1024x16xi1>, vector<1024x16xi32>
    %reduce_min3A_427 = arith.constant dense<2147483647> : vector<1024xi32>
    %reduce_min3A_428 = vector.multi_reduction <minsi>, %select_n3A_426, %reduce_min3A_427 [1] : vector<1024x16xi32> to vector<1024xi32>
    %broadcast_in_dim3A_429 = vector.shape_cast %reduce_min3A_428 : vector<1024xi32> to vector<1024x1xi32>
    %eq3A_430 = vector.broadcast %broadcast_in_dim3A_429 : vector<1024x1xi32> to vector<1024x16xi32>
    %eq3A_431 = arith.cmpi eq, %iota3A_356, %eq3A_430 : vector<1024x16xi32>
    %jit3A_432 = arith.constant -1.000000e+09 : f32
    %broadcast_in_dim3A_433 = vector.broadcast %jit3A_432 : f32 to vector<1024x16xf32>
    %select_n3A_434 = arith.select %eq3A_431, %broadcast_in_dim3A_433, %select_n3A_418 : vector<1024x16xi1>, vector<1024x16xf32>
    %reduce_max3A_435 = arith.constant dense<0xFF800000> : vector<1024xf32>
    %reduce_max3A_436 = vector.multi_reduction <maximumf>, %select_n3A_434, %reduce_max3A_435 [1] : vector<1024x16xf32> to vector<1024xf32>
    %broadcast_in_dim3A_437 = vector.shape_cast %reduce_max3A_436 : vector<1024xf32> to vector<1024x1xf32>
    %eq3A_438 = vector.broadcast %broadcast_in_dim3A_437 : vector<1024x1xf32> to vector<1024x16xf32>
    %eq3A_439 = arith.cmpf oeq, %select_n3A_434, %eq3A_438 : vector<1024x16xf32>
    %jit3A_440 = arith.constant 99 : i32
    %broadcast_in_dim3A_441 = vector.broadcast %jit3A_440 : i32 to vector<1024x16xi32>
    %select_n3A_442 = arith.select %eq3A_439, %iota3A_356, %broadcast_in_dim3A_441 : vector<1024x16xi1>, vector<1024x16xi32>
    %reduce_min3A_443 = arith.constant dense<2147483647> : vector<1024xi32>
    %reduce_min3A_444 = vector.multi_reduction <minsi>, %select_n3A_442, %reduce_min3A_443 [1] : vector<1024x16xi32> to vector<1024xi32>
    %broadcast_in_dim3A_445 = vector.shape_cast %reduce_min3A_444 : vector<1024xi32> to vector<1024x1xi32>
    %eq3A_446 = vector.broadcast %broadcast_in_dim3A_429 : vector<1024x1xi32> to vector<1024x16xi32>
    %eq3A_447 = arith.cmpi eq, %iota3A_356, %eq3A_446 : vector<1024x16xi32>
    %jit3A_448 = arith.constant 0.000000e+00 : f32
    %broadcast_in_dim3A_449 = vector.broadcast %jit3A_448 : f32 to vector<1024x16xf32>
    %select_n3A_450 = arith.select %eq3A_447, %logistic3A_10, %broadcast_in_dim3A_449 : vector<1024x16xi1>, vector<1024x16xf32>
    %reduce_sum3A = arith.constant dense<0.000000e+00> : vector<1024xf32>
    %reduce_sum3A_451 = vector.multi_reduction <add>, %select_n3A_450, %reduce_sum3A [1] : vector<1024x16xf32> to vector<1024xf32>
    %broadcast_in_dim3A_452 = vector.shape_cast %reduce_sum3A_451 : vector<1024xf32> to vector<1024x1xf32>
    %eq3A_453 = vector.broadcast %broadcast_in_dim3A_445 : vector<1024x1xi32> to vector<1024x16xi32>
    %eq3A_454 = arith.cmpi eq, %iota3A_356, %eq3A_453 : vector<1024x16xi32>
    %jit3A_455 = arith.constant 0.000000e+00 : f32
    %broadcast_in_dim3A_456 = vector.broadcast %jit3A_455 : f32 to vector<1024x16xf32>
    %select_n3A_457 = arith.select %eq3A_454, %logistic3A_10, %broadcast_in_dim3A_456 : vector<1024x16xi1>, vector<1024x16xf32>
    %reduce_sum3A_458 = arith.constant dense<0.000000e+00> : vector<1024xf32>
    %reduce_sum3A_459 = vector.multi_reduction <add>, %select_n3A_457, %reduce_sum3A_458 [1] : vector<1024x16xf32> to vector<1024xf32>
    %broadcast_in_dim3A_460 = vector.shape_cast %reduce_sum3A_459 : vector<1024xf32> to vector<1024x1xf32>
    %add3A_461 = arith.addf %broadcast_in_dim3A_452, %broadcast_in_dim3A_460 : vector<1024x1xf32>
    %add3A_462 = arith.constant 9.99999968E-21 : f32
    %add3A_463 = vector.broadcast %add3A_462 : f32 to vector<1024x1xf32>
    %add3A_464 = arith.addf %add3A_461, %add3A_463 : vector<1024x1xf32>
    %div3A_465 = arith.divf %broadcast_in_dim3A_452, %add3A_464 : vector<1024x1xf32>
    %mul3A_466 = arith.constant 2.500000e+00 : f32
    %mul3A_467 = vector.broadcast %mul3A_466 : f32 to vector<1024x1xf32>
    %mul3A_468 = arith.mulf %div3A_465, %mul3A_467 : vector<1024x1xf32>
    %div3A_469 = arith.divf %broadcast_in_dim3A_460, %add3A_464 : vector<1024x1xf32>
    %mul3A_470 = arith.constant 2.500000e+00 : f32
    %mul3A_471 = vector.broadcast %mul3A_470 : f32 to vector<1024x1xf32>
    %mul3A_472 = arith.mulf %div3A_469, %mul3A_471 : vector<1024x1xf32>
    %concatenate3A = tpu.concatenate %broadcast_in_dim3A_429, %broadcast_in_dim3A_445 in 0 : vector<1024x1xi32>, vector<1024x1xi32> -> vector<2048x1xi32>
    %concatenate3A_473 = tpu.concatenate %mul3A_468, %mul3A_472 in 0 : vector<1024x1xf32>, vector<1024x1xf32> -> vector<2048x1xf32>
    %iota3A_474 = tpu.iota {dimensions = array<i32: 1>} : vector<2048x16xi32>
    %eq3A_475 = vector.broadcast %concatenate3A : vector<2048x1xi32> to vector<2048x16xi32>
    %eq3A_476 = arith.cmpi eq, %eq3A_475, %iota3A_474 : vector<2048x16xi32>
    %convert_element_type3A_477 = arith.extui %eq3A_476 : vector<2048x16xi1> to vector<2048x16xi32>
    %convert_element_type3A_478 = arith.sitofp %convert_element_type3A_477 : vector<2048x16xi32> to vector<2048x16xf32>
    %broadcast_in_dim3A_479 = arith.constant 0.000000e+00 : f32
    %broadcast_in_dim3A_480 = vector.broadcast %broadcast_in_dim3A_479 : f32 to vector<1x16xf32>
    %slice3A = vector.extract_strided_slice %convert_element_type3A_478 {offsets = [0, 0], sizes = [2047, 16], strides = [1, 1]} : vector<2048x16xf32> to vector<2047x16xf32>
    %concatenate3A_481 = tpu.concatenate %broadcast_in_dim3A_480, %slice3A in 0 : vector<1x16xf32>, vector<2047x16xf32> -> vector<2048x16xf32>
    %add3A_482 = arith.addf %convert_element_type3A_478, %concatenate3A_481 : vector<2048x16xf32>
    %broadcast_in_dim3A_483 = arith.constant 0.000000e+00 : f32
    %broadcast_in_dim3A_484 = vector.broadcast %broadcast_in_dim3A_483 : f32 to vector<2x16xf32>
    %slice3A_485 = vector.extract_strided_slice %add3A_482 {offsets = [0, 0], sizes = [2046, 16], strides = [1, 1]} : vector<2048x16xf32> to vector<2046x16xf32>
    %concatenate3A_486 = tpu.concatenate %broadcast_in_dim3A_484, %slice3A_485 in 0 : vector<2x16xf32>, vector<2046x16xf32> -> vector<2048x16xf32>
    %add3A_487 = arith.addf %add3A_482, %concatenate3A_486 : vector<2048x16xf32>
    %broadcast_in_dim3A_488 = arith.constant 0.000000e+00 : f32
    %broadcast_in_dim3A_489 = vector.broadcast %broadcast_in_dim3A_488 : f32 to vector<4x16xf32>
    %slice3A_490 = vector.extract_strided_slice %add3A_487 {offsets = [0, 0], sizes = [2044, 16], strides = [1, 1]} : vector<2048x16xf32> to vector<2044x16xf32>
    %concatenate3A_491 = tpu.concatenate %broadcast_in_dim3A_489, %slice3A_490 in 0 : vector<4x16xf32>, vector<2044x16xf32> -> vector<2048x16xf32>
    %add3A_492 = arith.addf %add3A_487, %concatenate3A_491 : vector<2048x16xf32>
    %broadcast_in_dim3A_493 = arith.constant 0.000000e+00 : f32
    %broadcast_in_dim3A_494 = vector.broadcast %broadcast_in_dim3A_493 : f32 to vector<8x16xf32>
    %slice3A_495 = vector.extract_strided_slice %add3A_492 {offsets = [0, 0], sizes = [2040, 16], strides = [1, 1]} : vector<2048x16xf32> to vector<2040x16xf32>
    %concatenate3A_496 = tpu.concatenate %broadcast_in_dim3A_494, %slice3A_495 in 0 : vector<8x16xf32>, vector<2040x16xf32> -> vector<2048x16xf32>
    %add3A_497 = arith.addf %add3A_492, %concatenate3A_496 : vector<2048x16xf32>
    %broadcast_in_dim3A_498 = arith.constant 0.000000e+00 : f32
    %broadcast_in_dim3A_499 = vector.broadcast %broadcast_in_dim3A_498 : f32 to vector<16x16xf32>
    %slice3A_500 = vector.extract_strided_slice %add3A_497 {offsets = [0, 0], sizes = [2032, 16], strides = [1, 1]} : vector<2048x16xf32> to vector<2032x16xf32>
    %concatenate3A_501 = tpu.concatenate %broadcast_in_dim3A_499, %slice3A_500 in 0 : vector<16x16xf32>, vector<2032x16xf32> -> vector<2048x16xf32>
    %add3A_502 = arith.addf %add3A_497, %concatenate3A_501 : vector<2048x16xf32>
    %broadcast_in_dim3A_503 = arith.constant 0.000000e+00 : f32
    %broadcast_in_dim3A_504 = vector.broadcast %broadcast_in_dim3A_503 : f32 to vector<32x16xf32>
    %slice3A_505 = vector.extract_strided_slice %add3A_502 {offsets = [0, 0], sizes = [2016, 16], strides = [1, 1]} : vector<2048x16xf32> to vector<2016x16xf32>
    %concatenate3A_506 = tpu.concatenate %broadcast_in_dim3A_504, %slice3A_505 in 0 : vector<32x16xf32>, vector<2016x16xf32> -> vector<2048x16xf32>
    %add3A_507 = arith.addf %add3A_502, %concatenate3A_506 : vector<2048x16xf32>
    %broadcast_in_dim3A_508 = arith.constant 0.000000e+00 : f32
    %broadcast_in_dim3A_509 = vector.broadcast %broadcast_in_dim3A_508 : f32 to vector<64x16xf32>
    %slice3A_510 = vector.extract_strided_slice %add3A_507 {offsets = [0, 0], sizes = [1984, 16], strides = [1, 1]} : vector<2048x16xf32> to vector<1984x16xf32>
    %concatenate3A_511 = tpu.concatenate %broadcast_in_dim3A_509, %slice3A_510 in 0 : vector<64x16xf32>, vector<1984x16xf32> -> vector<2048x16xf32>
    %add3A_512 = arith.addf %add3A_507, %concatenate3A_511 : vector<2048x16xf32>
    %broadcast_in_dim3A_513 = arith.constant 0.000000e+00 : f32
    %broadcast_in_dim3A_514 = vector.broadcast %broadcast_in_dim3A_513 : f32 to vector<128x16xf32>
    %slice3A_515 = vector.extract_strided_slice %add3A_512 {offsets = [0, 0], sizes = [1920, 16], strides = [1, 1]} : vector<2048x16xf32> to vector<1920x16xf32>
    %concatenate3A_516 = tpu.concatenate %broadcast_in_dim3A_514, %slice3A_515 in 0 : vector<128x16xf32>, vector<1920x16xf32> -> vector<2048x16xf32>
    %add3A_517 = arith.addf %add3A_512, %concatenate3A_516 : vector<2048x16xf32>
    %broadcast_in_dim3A_518 = arith.constant 0.000000e+00 : f32
    %broadcast_in_dim3A_519 = vector.broadcast %broadcast_in_dim3A_518 : f32 to vector<256x16xf32>
    %slice3A_520 = vector.extract_strided_slice %add3A_517 {offsets = [0, 0], sizes = [1792, 16], strides = [1, 1]} : vector<2048x16xf32> to vector<1792x16xf32>
    %concatenate3A_521 = tpu.concatenate %broadcast_in_dim3A_519, %slice3A_520 in 0 : vector<256x16xf32>, vector<1792x16xf32> -> vector<2048x16xf32>
    %add3A_522 = arith.addf %add3A_517, %concatenate3A_521 : vector<2048x16xf32>
    %broadcast_in_dim3A_523 = arith.constant 0.000000e+00 : f32
    %broadcast_in_dim3A_524 = vector.broadcast %broadcast_in_dim3A_523 : f32 to vector<512x16xf32>
    %slice3A_525 = vector.extract_strided_slice %add3A_522 {offsets = [0, 0], sizes = [1536, 16], strides = [1, 1]} : vector<2048x16xf32> to vector<1536x16xf32>
    %concatenate3A_526 = tpu.concatenate %broadcast_in_dim3A_524, %slice3A_525 in 0 : vector<512x16xf32>, vector<1536x16xf32> -> vector<2048x16xf32>
    %add3A_527 = arith.addf %add3A_522, %concatenate3A_526 : vector<2048x16xf32>
    %broadcast_in_dim3A_528 = arith.constant 0.000000e+00 : f32
    %broadcast_in_dim3A_529 = vector.broadcast %broadcast_in_dim3A_528 : f32 to vector<1024x16xf32>
    %slice3A_530 = vector.extract_strided_slice %add3A_527 {offsets = [0, 0], sizes = [1024, 16], strides = [1, 1]} : vector<2048x16xf32> to vector<1024x16xf32>
    %concatenate3A_531 = tpu.concatenate %broadcast_in_dim3A_529, %slice3A_530 in 0 : vector<1024x16xf32>, vector<1024x16xf32> -> vector<2048x16xf32>
    %add3A_532 = arith.addf %add3A_527, %concatenate3A_531 : vector<2048x16xf32>
    %mul3A_533 = arith.mulf %add3A_532, %convert_element_type3A_478 : vector<2048x16xf32>
    %reduce_sum3A_534 = arith.constant dense<0.000000e+00> : vector<2048xf32>
    %reduce_sum3A_535 = vector.multi_reduction <add>, %mul3A_533, %reduce_sum3A_534 [1] : vector<2048x16xf32> to vector<2048xf32>
    %broadcast_in_dim3A_536 = vector.shape_cast %reduce_sum3A_535 : vector<2048xf32> to vector<2048x1xf32>
    %sub3A_537 = arith.constant 1.000000e+00 : f32
    %sub3A_538 = vector.broadcast %sub3A_537 : f32 to vector<2048x1xf32>
    %sub3A_539 = arith.subf %broadcast_in_dim3A_536, %sub3A_538 : vector<2048x1xf32>
    %slice3A_540 = vector.extract_strided_slice %add3A_532 {offsets = [2047, 0], sizes = [1, 16], strides = [1, 1]} : vector<2048x16xf32> to vector<1x16xf32>
    %convert_element_type3A_541 = arith.fptosi %slice3A_540 : vector<1x16xf32> to vector<1x16xi32>
    %add3A_542 = arith.constant 127 : i32
    %add3A_543 = vector.broadcast %add3A_542 : i32 to vector<1x16xi32>
    %add3A_544 = arith.addi %convert_element_type3A_541, %add3A_543 : vector<1x16xi32>
    %jit3A_545 = arith.constant 128 : i32
    %div3A_546 = vector.broadcast %jit3A_545 : i32 to vector<1x16xi32>
    %div3A_547 = arith.divsi %add3A_544, %div3A_546 : vector<1x16xi32>
    %sign3A_548 = arith.constant 0 : i32
    %sign3A_549 = vector.broadcast %sign3A_548 : i32 to vector<1x16xi32>
    %sign3A_550 = arith.cmpi sgt, %add3A_544, %sign3A_549 : vector<1x16xi32>
    %sign3A_551 = arith.extui %sign3A_550 : vector<1x16xi1> to vector<1x16xi32>
    %sign3A_552 = arith.constant 0 : i32
    %sign3A_553 = vector.broadcast %sign3A_552 : i32 to vector<1x16xi32>
    %sign3A_554 = arith.cmpi slt, %add3A_544, %sign3A_553 : vector<1x16xi32>
    %sign3A_555 = arith.extui %sign3A_554 : vector<1x16xi1> to vector<1x16xi32>
    %sign3A_556 = arith.subi %sign3A_551, %sign3A_555 : vector<1x16xi32>
    %sign3A_557 = arith.constant 0 : i32
    %sign3A_558 = arith.cmpi sgt, %jit3A_545, %sign3A_557 : i32
    %sign3A_559 = arith.extui %sign3A_558 : i1 to i32
    %sign3A_560 = arith.constant 0 : i32
    %sign3A_561 = arith.cmpi slt, %jit3A_545, %sign3A_560 : i32
    %sign3A_562 = arith.extui %sign3A_561 : i1 to i32
    %sign3A_563 = arith.subi %sign3A_559, %sign3A_562 : i32
    %ne3A_564 = vector.broadcast %sign3A_563 : i32 to vector<1x16xi32>
    %ne3A_565 = arith.cmpi ne, %sign3A_556, %ne3A_564 : vector<1x16xi32>
    %rem3A_566 = vector.broadcast %jit3A_545 : i32 to vector<1x16xi32>
    %rem3A_567 = arith.remsi %add3A_544, %rem3A_566 : vector<1x16xi32>
    %ne3A_568 = arith.constant 0 : i32
    %ne3A_569 = vector.broadcast %ne3A_568 : i32 to vector<1x16xi32>
    %ne3A_570 = arith.cmpi ne, %rem3A_567, %ne3A_569 : vector<1x16xi32>
    %and3A_571 = arith.andi %ne3A_565, %ne3A_570 : vector<1x16xi1>
    %sub3A_572 = arith.constant 1 : i32
    %sub3A_573 = vector.broadcast %sub3A_572 : i32 to vector<1x16xi32>
    %sub3A_574 = arith.subi %div3A_547, %sub3A_573 : vector<1x16xi32>
    %select_n3A_575 = arith.select %and3A_571, %sub3A_574, %div3A_547 : vector<1x16xi1>, vector<1x16xi32>
    %mul3A_576 = arith.constant 128 : i32
    %mul3A_577 = vector.broadcast %mul3A_576 : i32 to vector<1x16xi32>
    %mul3A_578 = arith.muli %select_n3A_575, %mul3A_577 : vector<1x16xi32>
    %convert_element_type3A_579 = arith.sitofp %mul3A_578 : vector<1x16xi32> to vector<1x16xf32>
    %lt3A_580 = arith.cmpi slt, %iota3A, %iota3A_15 : vector<16x16xi32>
    %convert_element_type3A_581 = arith.extui %lt3A_580 : vector<16x16xi1> to vector<16x16xi32>
    %convert_element_type3A_582 = arith.sitofp %convert_element_type3A_581 : vector<16x16xi32> to vector<16x16xf32>
    %dot_general3A_583 = arith.constant dense<0.000000e+00> : vector<1x16xf32>
    %dot_general3A_584 = tpu.matmul %convert_element_type3A_579, %convert_element_type3A_582, %dot_general3A_583 {dimension_numbers = #tpu.dot_dimension_numbers<[1], [0], [0], [1], [0, 0, 1, 1], [], []>, precision = #tpu.contract_precision<fp32>, transpose_lhs_hint = false} : vector<1x16xf32>, vector<16x16xf32>, vector<1x16xf32> -> vector<1x16xf32>
    %add3A_585 = arith.addf %dot_general3A_584, %convert_element_type3A_579 : vector<1x16xf32>
    %mul3A_586 = vector.broadcast %dot_general3A_584 : vector<1x16xf32> to vector<2048x16xf32>
    %mul3A_587 = arith.mulf %convert_element_type3A_478, %mul3A_586 : vector<2048x16xf32>
    %reduce_sum3A_588 = arith.constant dense<0.000000e+00> : vector<2048xf32>
    %reduce_sum3A_589 = vector.multi_reduction <add>, %mul3A_587, %reduce_sum3A_588 [1] : vector<2048x16xf32> to vector<2048xf32>
    %broadcast_in_dim3A_590 = vector.shape_cast %reduce_sum3A_589 : vector<2048xf32> to vector<2048x1xf32>
    %add3A_591 = arith.addf %broadcast_in_dim3A_590, %sub3A_539 : vector<2048x1xf32>
    %convert_element_type3A_592 = arith.fptosi %add3A_591 : vector<2048x1xf32> to vector<2048x1xi32>
    %swap3A = arith.constant 0 : index
    %swap3A_593 = arith.constant 0 : index
    %swap3A_594 = vector.load %arg3[%swap3A, %swap3A_593] : memref<2048x1xi32, #tpu.memory_space<vmem>>, vector<2048x1xi32>
    tpu.vector_store %arg3[%swap3A, %swap3A_593], %convert_element_type3A_592 {strides = array<i32>} : memref<2048x1xi32, #tpu.memory_space<vmem>>, vector<2048x1xi32>,
    %swap3A_595 = arith.constant 0 : index
    %swap3A_596 = arith.constant 0 : index
    %swap3A_597 = vector.load %arg4[%swap3A_595, %swap3A_596] : memref<2048x1xf32, #tpu.memory_space<vmem>>, vector<2048x1xf32>
    tpu.vector_store %arg4[%swap3A_595, %swap3A_596], %concatenate3A_473 {strides = array<i32>} : memref<2048x1xf32, #tpu.memory_space<vmem>>, vector<2048x1xf32>,
    %iota3A_598 = tpu.iota {dimensions = array<i32: 0>} : vector<32x16xi32>
    %mul3A_599 = arith.constant 128 : i32
    %mul3A_600 = vector.broadcast %mul3A_599 : i32 to vector<32x16xi32>
    %mul3A_601 = arith.muli %iota3A_598, %mul3A_600 : vector<32x16xi32>
    %convert_element_type3A_602 = arith.fptosi %add3A_585 : vector<1x16xf32> to vector<1x16xi32>
    %ge3A = vector.broadcast %convert_element_type3A_602 : vector<1x16xi32> to vector<32x16xi32>
    %ge3A_603 = arith.cmpi sge, %mul3A_601, %ge3A : vector<32x16xi32>
    %convert_element_type3A_604 = arith.extui %ge3A_603 : vector<32x16xi1> to vector<32x16xi32>
    %reduce_sum3A_605 = arith.constant dense<0> : vector<32xi32>
    %reduce_sum3A_606 = vector.multi_reduction <add>, %convert_element_type3A_604, %reduce_sum3A_605 [1] : vector<32x16xi32> to vector<32xi32>
    %broadcast_in_dim3A_607 = vector.shape_cast %reduce_sum3A_606 : vector<32xi32> to vector<32x1xi32>
    %min3A = arith.constant 15 : i32
    %min3A_608 = vector.broadcast %min3A : i32 to vector<32x1xi32>
    %min3A_609 = arith.minsi %broadcast_in_dim3A_607, %min3A_608 : vector<32x1xi32>
    %swap3A_610 = arith.constant 0 : index
    %swap3A_611 = arith.constant 0 : index
    %swap3A_612 = vector.load %arg5[%swap3A_610, %swap3A_611] : memref<32x1xi32, #tpu.memory_space<vmem>>, vector<32x1xi32>
    tpu.vector_store %arg5[%swap3A_610, %swap3A_611], %min3A_609 {strides = array<i32>} : memref<32x1xi32, #tpu.memory_space<vmem>>, vector<32x1xi32>,
    %convert_element_type3A_613 = arith.truncf %get3A_1 : vector<1024x2048xf32> to vector<1024x2048xbf16>
    %swap3A_614 = arith.constant 0 : index
    %swap3A_615 = arith.constant 0 : index
    %swap3A_616 = vector.load %arg6[%swap3A_614, %swap3A_615] : memref<1024x2048xbf16, #tpu.memory_space<vmem>>, vector<1024x2048xbf16>
    tpu.vector_store %arg6[%swap3A_614, %swap3A_615], %convert_element_type3A_613 {strides = array<i32>} : memref<1024x2048xbf16, #tpu.memory_space<vmem>>, vector<1024x2048xbf16>,
    return
  }
}

module attributes {stable_mosaic.version = 14 : i64} {
  func.func @_moe_down_body(%arg0: i32, %arg1: memref<32xi32, #tpu.memory_space<smem>>, %arg2: memref<1x128x1408xbf16, #tpu.memory_space<vmem>>, %arg3: memref<1x1408x2048xf32, #tpu.memory_space<vmem>>, %arg4: memref<1x128x2048xbf16, #tpu.memory_space<vmem>>) attributes {dimension_semantics = [#tpu.dimension_semantics<arbitrary>], iteration_bounds = array<i64: 32>, scalar_prefetch = 1 : i64, scratch_operands = 0 : i64, tpu.core_type = #tpu.core_type<tc>, window_params = [{transform_indices = @transform_0, window_bounds = array<i64: 1, 128, 1408>}, {transform_indices = @transform_1, window_bounds = array<i64: 1, 1408, 2048>}, {transform_indices = @transform_2, window_bounds = array<i64: 1, 128, 2048>}]} {
    %get3A = arith.constant 0 : index
    %get3A_0 = arith.constant 0 : index
    %get3A_1 = arith.constant 0 : index
    %get3A_2 = vector.load %arg2[%get3A, %get3A_0, %get3A_1] : memref<1x128x1408xbf16, #tpu.memory_space<vmem>>, vector<1x128x1408xbf16>
    %get3A_3 = vector.shape_cast %get3A_2 : vector<1x128x1408xbf16> to vector<128x1408xbf16>
    %convert_element_type3A = arith.extf %get3A_3 : vector<128x1408xbf16> to vector<128x1408xf32>
    %get3A_4 = arith.constant 0 : index
    %get3A_5 = arith.constant 0 : index
    %get3A_6 = arith.constant 0 : index
    %get3A_7 = vector.load %arg3[%get3A_4, %get3A_5, %get3A_6] : memref<1x1408x2048xf32, #tpu.memory_space<vmem>>, vector<1x1408x2048xf32>
    %get3A_8 = vector.shape_cast %get3A_7 : vector<1x1408x2048xf32> to vector<1408x2048xf32>
    %dot_general3A = arith.constant dense<0.000000e+00> : vector<128x2048xf32>
    %dot_general3A_9 = tpu.matmul %convert_element_type3A, %get3A_8, %dot_general3A {dimension_numbers = #tpu.dot_dimension_numbers<[1], [0], [0], [1], [0, 0, 1, 1], [], []>, transpose_lhs_hint = false} : vector<128x1408xf32>, vector<1408x2048xf32>, vector<128x2048xf32> -> vector<128x2048xf32>
    %convert_element_type3A_10 = arith.truncf %dot_general3A_9 : vector<128x2048xf32> to vector<128x2048xbf16>
    %swap3A = arith.constant 0 : index
    %swap3A_11 = arith.constant 0 : index
    %swap3A_12 = arith.constant 0 : index
    %swap3A_13 = vector.load %arg4[%swap3A, %swap3A_11, %swap3A_12] : memref<1x128x2048xbf16, #tpu.memory_space<vmem>>, vector<1x128x2048xbf16>
    %swap3A_14 = vector.shape_cast %swap3A_13 : vector<1x128x2048xbf16> to vector<128x2048xbf16>
    %swap3A_15 = vector.shape_cast %convert_element_type3A_10 : vector<128x2048xbf16> to vector<1x128x2048xbf16>
    tpu.vector_store %arg4[%swap3A, %swap3A_11, %swap3A_12], %swap3A_15 {strides = array<i32>} : memref<1x128x2048xbf16, #tpu.memory_space<vmem>>, vector<1x128x2048xbf16>,
    return
  }
  func.func @transform_0(%arg0: i32, %arg1: memref<32xi32, #tpu.memory_space<smem>>) -> (i32, i32, i32) {
    %c0_i32 = arith.constant 0 : i32
    %c0_i32_0 = arith.constant 0 : i32
    %c0_i32_1 = arith.constant 0 : i32
    return %arg0, %c0_i32, %c0_i32_0 : i32, i32, i32
  }
  func.func @transform_1(%arg0: i32, %arg1: memref<32xi32, #tpu.memory_space<smem>>) -> (i32, i32, i32) {
    %get3A = arith.index_cast %arg0 : i32 to index
    %get3A_0 = memref.load %arg1[%get3A] : memref<32xi32, #tpu.memory_space<smem>>
    %c0_i32 = arith.constant 0 : i32
    %c0_i32_1 = arith.constant 0 : i32
    %c0_i32_2 = arith.constant 0 : i32
    return %get3A_0, %c0_i32, %c0_i32_1 : i32, i32, i32
  }
  func.func @transform_2(%arg0: i32, %arg1: memref<32xi32, #tpu.memory_space<smem>>) -> (i32, i32, i32) {
    %c0_i32 = arith.constant 0 : i32
    %c0_i32_0 = arith.constant 0 : i32
    %c0_i32_1 = arith.constant 0 : i32
    return %arg0, %c0_i32, %c0_i32_0 : i32, i32, i32
  }
}

module attributes {stable_mosaic.version = 14 : i64} {
  func.func @_shared_body(%arg0: i32, %arg1: memref<1024x2048xf32, #tpu.memory_space<vmem>>, %arg2: memref<2048x256xf32, #tpu.memory_space<vmem>>, %arg3: memref<2048x256xf32, #tpu.memory_space<vmem>>, %arg4: memref<256x2048xf32, #tpu.memory_space<vmem>>, %arg5: memref<1024x2048xf32, #tpu.memory_space<vmem>>) attributes {dimension_semantics = [#tpu.dimension_semantics<arbitrary>], iteration_bounds = array<i64: 11>, scalar_prefetch = 0 : i64, scratch_operands = 0 : i64, tpu.core_type = #tpu.core_type<tc>, window_params = [{pipeline_mode = #tpu.pipeline_mode<synchronous>, transform_indices = @transform_0, window_bounds = array<i64: 1024, 2048>}, {transform_indices = @transform_1, window_bounds = array<i64: 2048, 256>}, {transform_indices = @transform_2, window_bounds = array<i64: 2048, 256>}, {transform_indices = @transform_3, window_bounds = array<i64: 256, 2048>}, {pipeline_mode = #tpu.pipeline_mode<synchronous>, transform_indices = @transform_4, window_bounds = array<i64: 1024, 2048>}]} {
    %get3A = arith.constant 0 : index
    %get3A_0 = arith.constant 0 : index
    %get3A_1 = vector.load %arg1[%get3A, %get3A_0] : memref<1024x2048xf32, #tpu.memory_space<vmem>>, vector<1024x2048xf32>
    %get3A_2 = arith.constant 0 : index
    %get3A_3 = arith.constant 0 : index
    %get3A_4 = vector.load %arg2[%get3A_2, %get3A_3] : memref<2048x256xf32, #tpu.memory_space<vmem>>, vector<2048x256xf32>
    %dot_general3A = arith.constant dense<0.000000e+00> : vector<1024x256xf32>
    %dot_general3A_5 = tpu.matmul %get3A_1, %get3A_4, %dot_general3A {dimension_numbers = #tpu.dot_dimension_numbers<[1], [0], [0], [1], [0, 0, 1, 1], [], []>, transpose_lhs_hint = false} : vector<1024x2048xf32>, vector<2048x256xf32>, vector<1024x256xf32> -> vector<1024x256xf32>
    %get3A_6 = arith.constant 0 : index
    %get3A_7 = arith.constant 0 : index
    %get3A_8 = vector.load %arg3[%get3A_6, %get3A_7] : memref<2048x256xf32, #tpu.memory_space<vmem>>, vector<2048x256xf32>
    %dot_general3A_9 = arith.constant dense<0.000000e+00> : vector<1024x256xf32>
    %dot_general3A_10 = tpu.matmul %get3A_1, %get3A_8, %dot_general3A_9 {dimension_numbers = #tpu.dot_dimension_numbers<[1], [0], [0], [1], [0, 0, 1, 1], [], []>, transpose_lhs_hint = false} : vector<1024x2048xf32>, vector<2048x256xf32>, vector<1024x256xf32> -> vector<1024x256xf32>
    %logistic3A = arith.negf %dot_general3A_5 : vector<1024x256xf32>
    %logistic3A_11 = math.exp %logistic3A : vector<1024x256xf32>
    %logistic3A_12 = arith.constant 1.000000e+00 : f32
    %logistic3A_13 = vector.broadcast %logistic3A_12 : f32 to vector<1024x256xf32>
    %logistic3A_14 = arith.addf %logistic3A_13, %logistic3A_11 : vector<1024x256xf32>
    %logistic3A_15 = arith.divf %logistic3A_13, %logistic3A_14 : vector<1024x256xf32>
    %mul3A = arith.mulf %dot_general3A_5, %logistic3A_15 : vector<1024x256xf32>
    %mul3A_16 = arith.mulf %mul3A, %dot_general3A_10 : vector<1024x256xf32>
    %get3A_17 = arith.constant 0 : index
    %get3A_18 = arith.constant 0 : index
    %get3A_19 = vector.load %arg4[%get3A_17, %get3A_18] : memref<256x2048xf32, #tpu.memory_space<vmem>>, vector<256x2048xf32>
    %dot_general3A_20 = arith.constant dense<0.000000e+00> : vector<1024x2048xf32>
    %dot_general3A_21 = tpu.matmul %mul3A_16, %get3A_19, %dot_general3A_20 {dimension_numbers = #tpu.dot_dimension_numbers<[1], [0], [0], [1], [0, 0, 1, 1], [], []>, transpose_lhs_hint = false} : vector<1024x256xf32>, vector<256x2048xf32>, vector<1024x2048xf32> -> vector<1024x2048xf32>
    %eq3A = arith.constant 0 : i32
    %eq3A_22 = arith.cmpi eq, %arg0, %eq3A : i32
    %convert_element_type3A = arith.extui %eq3A_22 : i1 to i32
    %cond3A = arith.constant 0 : i32
    %cond3A_23 = arith.cmpi ne, %convert_element_type3A, %cond3A : i32
    scf.if %cond3A_23 {
      %swap3A = arith.constant 0 : index
      %swap3A_28 = arith.constant 0 : index
      %swap3A_29 = vector.load %arg5[%swap3A, %swap3A_28] : memref<1024x2048xf32, #tpu.memory_space<vmem>>, vector<1024x2048xf32>
      tpu.vector_store %arg5[%swap3A, %swap3A_28], %dot_general3A_21 {strides = array<i32>} : memref<1024x2048xf32, #tpu.memory_space<vmem>>, vector<1024x2048xf32>,
    } else {
    }
    %gt3A = arith.constant 0 : i32
    %gt3A_24 = arith.cmpi sgt, %arg0, %gt3A : i32
    %convert_element_type3A_25 = arith.extui %gt3A_24 : i1 to i32
    %cond3A_26 = arith.constant 0 : i32
    %cond3A_27 = arith.cmpi ne, %convert_element_type3A_25, %cond3A_26 : i32
    scf.if %cond3A_27 {
      %get3A_28 = arith.constant 0 : index
      %get3A_29 = arith.constant 0 : index
      %get3A_30 = vector.load %arg5[%get3A_28, %get3A_29] : memref<1024x2048xf32, #tpu.memory_space<vmem>>, vector<1024x2048xf32>
      %add3A = arith.addf %get3A_30, %dot_general3A_21 : vector<1024x2048xf32>
      %swap3A = arith.constant 0 : index
      %swap3A_31 = arith.constant 0 : index
      %swap3A_32 = vector.load %arg5[%swap3A, %swap3A_31] : memref<1024x2048xf32, #tpu.memory_space<vmem>>, vector<1024x2048xf32>
      tpu.vector_store %arg5[%swap3A, %swap3A_31], %add3A {strides = array<i32>} : memref<1024x2048xf32, #tpu.memory_space<vmem>>, vector<1024x2048xf32>,
    } else {
    }
    return
  }
  func.func @transform_0(%arg0: i32) -> (i32, i32) {
    %c0_i32 = arith.constant 0 : i32
    %c0_i32_0 = arith.constant 0 : i32
    %c0_i32_1 = arith.constant 0 : i32
    return %c0_i32, %c0_i32_0 : i32, i32
  }
  func.func @transform_1(%arg0: i32) -> (i32, i32) {
    %c0_i32 = arith.constant 0 : i32
    %c0_i32_0 = arith.constant 0 : i32
    return %c0_i32, %arg0 : i32, i32
  }
  func.func @transform_2(%arg0: i32) -> (i32, i32) {
    %c0_i32 = arith.constant 0 : i32
    %c0_i32_0 = arith.constant 0 : i32
    return %c0_i32, %arg0 : i32, i32
  }
  func.func @transform_3(%arg0: i32) -> (i32, i32) {
    %c0_i32 = arith.constant 0 : i32
    %c0_i32_0 = arith.constant 0 : i32
    return %arg0, %c0_i32 : i32, i32
  }
  func.func @transform_4(%arg0: i32) -> (i32, i32) {
    %c0_i32 = arith.constant 0 : i32
    %c0_i32_0 = arith.constant 0 : i32
    %c0_i32_1 = arith.constant 0 : i32
    return %c0_i32, %c0_i32_0 : i32, i32
  }
}

module attributes {stable_mosaic.version = 14 : i64} {
  func.func @_moe_up_body(%arg0: i32, %arg1: memref<32xi32, #tpu.memory_space<smem>>, %arg2: memref<1x128x1xi32, #tpu.memory_space<vmem>>, %arg3: memref<1024x2048xbf16, #tpu.memory_space<vmem>>, %arg4: memref<1x2048x1408xf32, #tpu.memory_space<vmem>>, %arg5: memref<1x2048x1408xf32, #tpu.memory_space<vmem>>, %arg6: memref<1x128x1xf32, #tpu.memory_space<vmem>>, %arg7: memref<1x128x1408xbf16, #tpu.memory_space<vmem>>) attributes {dimension_semantics = [#tpu.dimension_semantics<arbitrary>], iteration_bounds = array<i64: 32>, scalar_prefetch = 1 : i64, scratch_operands = 0 : i64, tpu.core_type = #tpu.core_type<tc>, window_params = [{transform_indices = @transform_0, window_bounds = array<i64: 1, 128, 1>}, {pipeline_mode = #tpu.pipeline_mode<synchronous>, transform_indices = @transform_1, window_bounds = array<i64: 1024, 2048>}, {transform_indices = @transform_2, window_bounds = array<i64: 1, 2048, 1408>}, {transform_indices = @transform_3, window_bounds = array<i64: 1, 2048, 1408>}, {transform_indices = @transform_4, window_bounds = array<i64: 1, 128, 1>}, {transform_indices = @transform_5, window_bounds = array<i64: 1, 128, 1408>}]} {
    %get3A = arith.constant 0 : index
    %get3A_0 = arith.constant 0 : index
    %get3A_1 = arith.constant 0 : index
    %get3A_2 = vector.load %arg2[%get3A, %get3A_0, %get3A_1] : memref<1x128x1xi32, #tpu.memory_space<vmem>>, vector<1x128x1xi32>
    %get3A_3 = vector.shape_cast %get3A_2 : vector<1x128x1xi32> to vector<128x1xi32>
    %iota3A = tpu.iota {dimensions = array<i32: 1>} : vector<128x1024xi32>
    %eq3A = vector.broadcast %get3A_3 : vector<128x1xi32> to vector<128x1024xi32>
    %eq3A_4 = arith.cmpi eq, %eq3A, %iota3A : vector<128x1024xi32>
    %convert_element_type3A = arith.extui %eq3A_4 : vector<128x1024xi1> to vector<128x1024xi32>
    %convert_element_type3A_5 = arith.sitofp %convert_element_type3A : vector<128x1024xi32> to vector<128x1024xf32>
    %convert_element_type3A_6 = arith.truncf %convert_element_type3A_5 : vector<128x1024xf32> to vector<128x1024xbf16>
    %get3A_7 = arith.constant 0 : index
    %get3A_8 = arith.constant 0 : index
    %get3A_9 = vector.load %arg3[%get3A_7, %get3A_8] : memref<1024x2048xbf16, #tpu.memory_space<vmem>>, vector<1024x2048xbf16>
    %dot_general3A = arith.constant dense<0.000000e+00> : vector<128x2048xf32>
    %dot_general3A_10 = tpu.matmul %convert_element_type3A_6, %get3A_9, %dot_general3A {dimension_numbers = #tpu.dot_dimension_numbers<[1], [0], [0], [1], [0, 0, 1, 1], [], []>, transpose_lhs_hint = false} : vector<128x1024xbf16>, vector<1024x2048xbf16>, vector<128x2048xf32> -> vector<128x2048xf32>
    %get3A_11 = arith.constant 0 : index
    %get3A_12 = arith.constant 0 : index
    %get3A_13 = arith.constant 0 : index
    %get3A_14 = vector.load %arg4[%get3A_11, %get3A_12, %get3A_13] : memref<1x2048x1408xf32, #tpu.memory_space<vmem>>, vector<1x2048x1408xf32>
    %get3A_15 = vector.shape_cast %get3A_14 : vector<1x2048x1408xf32> to vector<2048x1408xf32>
    %dot_general3A_16 = arith.constant dense<0.000000e+00> : vector<128x1408xf32>
    %dot_general3A_17 = tpu.matmul %dot_general3A_10, %get3A_15, %dot_general3A_16 {dimension_numbers = #tpu.dot_dimension_numbers<[1], [0], [0], [1], [0, 0, 1, 1], [], []>, transpose_lhs_hint = false} : vector<128x2048xf32>, vector<2048x1408xf32>, vector<128x1408xf32> -> vector<128x1408xf32>
    %get3A_18 = arith.constant 0 : index
    %get3A_19 = arith.constant 0 : index
    %get3A_20 = arith.constant 0 : index
    %get3A_21 = vector.load %arg5[%get3A_18, %get3A_19, %get3A_20] : memref<1x2048x1408xf32, #tpu.memory_space<vmem>>, vector<1x2048x1408xf32>
    %get3A_22 = vector.shape_cast %get3A_21 : vector<1x2048x1408xf32> to vector<2048x1408xf32>
    %dot_general3A_23 = arith.constant dense<0.000000e+00> : vector<128x1408xf32>
    %dot_general3A_24 = tpu.matmul %dot_general3A_10, %get3A_22, %dot_general3A_23 {dimension_numbers = #tpu.dot_dimension_numbers<[1], [0], [0], [1], [0, 0, 1, 1], [], []>, transpose_lhs_hint = false} : vector<128x2048xf32>, vector<2048x1408xf32>, vector<128x1408xf32> -> vector<128x1408xf32>
    %logistic3A = arith.negf %dot_general3A_17 : vector<128x1408xf32>
    %logistic3A_25 = math.exp %logistic3A : vector<128x1408xf32>
    %logistic3A_26 = arith.constant 1.000000e+00 : f32
    %logistic3A_27 = vector.broadcast %logistic3A_26 : f32 to vector<128x1408xf32>
    %logistic3A_28 = arith.addf %logistic3A_27, %logistic3A_25 : vector<128x1408xf32>
    %logistic3A_29 = arith.divf %logistic3A_27, %logistic3A_28 : vector<128x1408xf32>
    %mul3A = arith.mulf %dot_general3A_17, %logistic3A_29 : vector<128x1408xf32>
    %mul3A_30 = arith.mulf %mul3A, %dot_general3A_24 : vector<128x1408xf32>
    %get3A_31 = arith.constant 0 : index
    %get3A_32 = arith.constant 0 : index
    %get3A_33 = arith.constant 0 : index
    %get3A_34 = vector.load %arg6[%get3A_31, %get3A_32, %get3A_33] : memref<1x128x1xf32, #tpu.memory_space<vmem>>, vector<1x128x1xf32>
    %get3A_35 = vector.shape_cast %get3A_34 : vector<1x128x1xf32> to vector<128x1xf32>
    %mul3A_36 = vector.broadcast %get3A_35 : vector<128x1xf32> to vector<128x1408xf32>
    %mul3A_37 = arith.mulf %mul3A_30, %mul3A_36 : vector<128x1408xf32>
    %convert_element_type3A_38 = arith.truncf %mul3A_37 : vector<128x1408xf32> to vector<128x1408xbf16>
    %swap3A = arith.constant 0 : index
    %swap3A_39 = arith.constant 0 : index
    %swap3A_40 = arith.constant 0 : index
    %swap3A_41 = vector.load %arg7[%swap3A, %swap3A_39, %swap3A_40] : memref<1x128x1408xbf16, #tpu.memory_space<vmem>>, vector<1x128x1408xbf16>
    %swap3A_42 = vector.shape_cast %swap3A_41 : vector<1x128x1408xbf16> to vector<128x1408xbf16>
    %swap3A_43 = vector.shape_cast %convert_element_type3A_38 : vector<128x1408xbf16> to vector<1x128x1408xbf16>
    tpu.vector_store %arg7[%swap3A, %swap3A_39, %swap3A_40], %swap3A_43 {strides = array<i32>} : memref<1x128x1408xbf16, #tpu.memory_space<vmem>>, vector<1x128x1408xbf16>,
    return
  }
  func.func @transform_0(%arg0: i32, %arg1: memref<32xi32, #tpu.memory_space<smem>>) -> (i32, i32, i32) {
    %c0_i32 = arith.constant 0 : i32
    %c0_i32_0 = arith.constant 0 : i32
    %c0_i32_1 = arith.constant 0 : i32
    return %arg0, %c0_i32, %c0_i32_0 : i32, i32, i32
  }
  func.func @transform_1(%arg0: i32, %arg1: memref<32xi32, #tpu.memory_space<smem>>) -> (i32, i32) {
    %c0_i32 = arith.constant 0 : i32
    %c0_i32_0 = arith.constant 0 : i32
    %c0_i32_1 = arith.constant 0 : i32
    return %c0_i32, %c0_i32_0 : i32, i32
  }
  func.func @transform_2(%arg0: i32, %arg1: memref<32xi32, #tpu.memory_space<smem>>) -> (i32, i32, i32) {
    %get3A = arith.index_cast %arg0 : i32 to index
    %get3A_0 = memref.load %arg1[%get3A] : memref<32xi32, #tpu.memory_space<smem>>
    %c0_i32 = arith.constant 0 : i32
    %c0_i32_1 = arith.constant 0 : i32
    %c0_i32_2 = arith.constant 0 : i32
    return %get3A_0, %c0_i32, %c0_i32_1 : i32, i32, i32
  }
  func.func @transform_3(%arg0: i32, %arg1: memref<32xi32, #tpu.memory_space<smem>>) -> (i32, i32, i32) {
    %get3A = arith.index_cast %arg0 : i32 to index
    %get3A_0 = memref.load %arg1[%get3A] : memref<32xi32, #tpu.memory_space<smem>>
    %c0_i32 = arith.constant 0 : i32
    %c0_i32_1 = arith.constant 0 : i32
    %c0_i32_2 = arith.constant 0 : i32
    return %get3A_0, %c0_i32, %c0_i32_1 : i32, i32, i32
  }
  func.func @transform_4(%arg0: i32, %arg1: memref<32xi32, #tpu.memory_space<smem>>) -> (i32, i32, i32) {
    %c0_i32 = arith.constant 0 : i32
    %c0_i32_0 = arith.constant 0 : i32
    %c0_i32_1 = arith.constant 0 : i32
    return %arg0, %c0_i32, %c0_i32_0 : i32, i32, i32
  }
  func.func @transform_5(%arg0: i32, %arg1: memref<32xi32, #tpu.memory_space<smem>>) -> (i32, i32, i32) {
    %c0_i32 = arith.constant 0 : i32
    %c0_i32_0 = arith.constant 0 : i32
    %c0_i32_1 = arith.constant 0 : i32
    return %arg0, %c0_i32, %c0_i32_0 : i32, i32, i32
  }
}

module attributes {stable_mosaic.version = 14 : i64} {
  func.func @_combine_body(%arg0: i32, %arg1: memref<2048x1xi32, #tpu.memory_space<vmem>>, %arg2: memref<4096x512xbf16, #tpu.memory_space<vmem>>, %arg3: memref<1024x512xf32, #tpu.memory_space<vmem>>, %arg4: memref<1024x512xf32, #tpu.memory_space<vmem>>, %arg5: memref<1024x4096xbf16, #tpu.memory_space<vmem>>) attributes {dimension_semantics = [#tpu.dimension_semantics<arbitrary>], iteration_bounds = array<i64: 4>, scalar_prefetch = 0 : i64, scratch_operands = 1 : i64, tpu.core_type = #tpu.core_type<tc>, window_params = [{pipeline_mode = #tpu.pipeline_mode<synchronous>, transform_indices = @transform_0, window_bounds = array<i64: 2048, 1>}, {transform_indices = @transform_1, window_bounds = array<i64: 4096, 512>}, {transform_indices = @transform_2, window_bounds = array<i64: 1024, 512>}, {transform_indices = @transform_3, window_bounds = array<i64: 1024, 512>}]} {
    %eq3A = arith.constant 0 : i32
    %eq3A_0 = arith.cmpi eq, %arg0, %eq3A : i32
    %convert_element_type3A = arith.extui %eq3A_0 : i1 to i32
    %cond3A = arith.constant 0 : i32
    %cond3A_1 = arith.cmpi ne, %convert_element_type3A, %cond3A : i32
    scf.if %cond3A_1 {
      %get3A_13 = arith.constant 0 : index
      %get3A_14 = arith.constant 0 : index
      %get3A_15 = vector.load %arg1[%get3A_13, %get3A_14] : memref<2048x1xi32, #tpu.memory_space<vmem>>, vector<2048x1xi32>
      %iota3A = tpu.iota {dimensions = array<i32: 1>} : vector<1024x4096xi32>
      %slice3A = vector.extract_strided_slice %get3A_15 {offsets = [0, 0], sizes = [1024, 1], strides = [1, 1]} : vector<2048x1xi32> to vector<1024x1xi32>
      %eq3A_16 = vector.broadcast %slice3A : vector<1024x1xi32> to vector<1024x4096xi32>
      %eq3A_17 = arith.cmpi eq, %iota3A, %eq3A_16 : vector<1024x4096xi32>
      %slice3A_18 = vector.extract_strided_slice %get3A_15 {offsets = [1024, 0], sizes = [1024, 1], strides = [1, 1]} : vector<2048x1xi32> to vector<1024x1xi32>
      %eq3A_19 = vector.broadcast %slice3A_18 : vector<1024x1xi32> to vector<1024x4096xi32>
      %eq3A_20 = arith.cmpi eq, %iota3A, %eq3A_19 : vector<1024x4096xi32>
      %or3A = arith.ori %eq3A_17, %eq3A_20 : vector<1024x4096xi1>
      %convert_element_type3A_21 = arith.extui %or3A : vector<1024x4096xi1> to vector<1024x4096xi32>
      %convert_element_type3A_22 = arith.sitofp %convert_element_type3A_21 : vector<1024x4096xi32> to vector<1024x4096xf32>
      %convert_element_type3A_23 = arith.truncf %convert_element_type3A_22 : vector<1024x4096xf32> to vector<1024x4096xbf16>
      %swap3A_24 = arith.constant 0 : index
      %swap3A_25 = arith.constant 0 : index
      %swap3A_26 = vector.load %arg5[%swap3A_24, %swap3A_25] : memref<1024x4096xbf16, #tpu.memory_space<vmem>>, vector<1024x4096xbf16>
      tpu.vector_store %arg5[%swap3A_24, %swap3A_25], %convert_element_type3A_23 {strides = array<i32>} : memref<1024x4096xbf16, #tpu.memory_space<vmem>>, vector<1024x4096xbf16>,
    } else {
    }
    %get3A = arith.constant 0 : index
    %get3A_2 = arith.constant 0 : index
    %get3A_3 = vector.load %arg5[%get3A, %get3A_2] : memref<1024x4096xbf16, #tpu.memory_space<vmem>>, vector<1024x4096xbf16>
    %get3A_4 = arith.constant 0 : index
    %get3A_5 = arith.constant 0 : index
    %get3A_6 = vector.load %arg2[%get3A_4, %get3A_5] : memref<4096x512xbf16, #tpu.memory_space<vmem>>, vector<4096x512xbf16>
    %dot_general3A = arith.constant dense<0.000000e+00> : vector<1024x512xf32>
    %dot_general3A_7 = tpu.matmul %get3A_3, %get3A_6, %dot_general3A {dimension_numbers = #tpu.dot_dimension_numbers<[1], [0], [0], [1], [0, 0, 1, 1], [], []>, transpose_lhs_hint = false} : vector<1024x4096xbf16>, vector<4096x512xbf16>, vector<1024x512xf32> -> vector<1024x512xf32>
    %get3A_8 = arith.constant 0 : index
    %get3A_9 = arith.constant 0 : index
    %get3A_10 = vector.load %arg3[%get3A_8, %get3A_9] : memref<1024x512xf32, #tpu.memory_space<vmem>>, vector<1024x512xf32>
    %add3A = arith.addf %dot_general3A_7, %get3A_10 : vector<1024x512xf32>
    %swap3A = arith.constant 0 : index
    %swap3A_11 = arith.constant 0 : index
    %swap3A_12 = vector.load %arg4[%swap3A, %swap3A_11] : memref<1024x512xf32, #tpu.memory_space<vmem>>, vector<1024x512xf32>
    tpu.vector_store %arg4[%swap3A, %swap3A_11], %add3A {strides = array<i32>} : memref<1024x512xf32, #tpu.memory_space<vmem>>, vector<1024x512xf32>,
    return
  }
  func.func @transform_0(%arg0: i32) -> (i32, i32) {
    %c0_i32 = arith.constant 0 : i32
    %c0_i32_0 = arith.constant 0 : i32
    %c0_i32_1 = arith.constant 0 : i32
    return %c0_i32, %c0_i32_0 : i32, i32
  }
  func.func @transform_1(%arg0: i32) -> (i32, i32) {
    %c0_i32 = arith.constant 0 : i32
    %c0_i32_0 = arith.constant 0 : i32
    return %c0_i32, %arg0 : i32, i32
  }
  func.func @transform_2(%arg0: i32) -> (i32, i32) {
    %c0_i32 = arith.constant 0 : i32
    %c0_i32_0 = arith.constant 0 : i32
    return %c0_i32, %arg0 : i32, i32
  }
  func.func @transform_3(%arg0: i32) -> (i32, i32) {
    %c0_i32 = arith.constant 0 : i32
    %c0_i32_0 = arith.constant 0 : i32
    return %c0_i32, %arg0 : i32, i32
  }
}

</mosaic_0001>

<sc_bundles>
// kernel: kernel.8.cloned.1.call-start
scs
__scs_entry_jumppad:
0x0: {  	(pc) =	sbr.rel $0x88, $3  }
0x1: {  	(tag) =	ssettag $0x0;
	lr =	simm.s32 $0x1  }
0x2: {  	[smem:$0x3F98] =	sst lr;
	_ =	strace $0xD0000000  }
0x3: {  	_ = 	snop  }
0x4: {  	_ = 	snop  }
0x5: {  	_ = 	snop  }
0x6: {  	_ = 	snop  }
0x7: {  	_ = 	snop  }
__scs_overlays_trampoline_lowered:
0x8: {  	[smem:$0x3FA7] =	sst s0  }
0x9: {  	[smem:$0x3FA8] =	sst s1  }
0xa: {  	[smem:$0x3FA9] =	sst s2  }
0xb: {  	[smem:$0x3FAA] =	sst s3  }
0xc: {  	[smem:$0x3FAB] =	sst s4  }
0xd: {  	[smem:$0x3FAC] =	sst s5  }
0xe: {  	[smem:$0x3FAD] =	sst s6  }
0xf: {  	[smem:$0x3FAE] =	sst s7  }
0x10: {  	[smem:$0x3FAF] =	sst s8  }
0x11: {  	[smem:$0x3FB0] =	sst s9;
	s0 =	simm.s32 @!p0 $0x0  }
0x12: {  	s1 =	sld [smem:$0x3F96];
	s0 =	simm.s32 @p0 $0x1  }
0x13: {  	[smem:$0x3FB1] =	sst s0;
	s0 =	simm.s32 @!p1 $0x0  }
0x14: {  	s2 =	sld [smem:$0x3F95];
	s0 =	simm.s32 @p1 $0x1  }
0x15: {  	[smem:$0x3FB2] =	sst s0;
	s0 =	simm.s32 @!p2 $0x0  }
0x16: {  	s3 =	sld [smem:$0x3FDB];
	s0 =	simm.s32 @p2 $0x1  }
0x17: {  	s4 =	simm.s32 $0x1BF5;
	[smem:$0x3FB4] =	sst s0  }
0x18: {  	s0 =	sld [smem:$0x3F97];
	_ =	swait.ge [sflag:s4], $0x0  }
0x19: {  	s7 =	sld [smem:$0x3F98]  }
0x1a: {  	s8 =	sadd.s32 $0xFFFFE003, lr  }
0x1b: {  	s9 =	sadd.s32 $0xFFFFFEF7, lr;
	s5 =	simm.s32 $0xFFFFFFFF;
	p2 =	slt.u32 s8, $0xFFFFF086  }
0x1c: {  	p1 =	slt.u32 s9, $0xF7A;
	s5 =	simm.s32 @!p2 $0x0  }
0x1d: {  	s5 =	simm.s32 @p1 $0x1;
	p0 =	seq.s32 s7, s2  }
0x1e: {  	s7 =	smul.u32 @!p0 $0xF7A, s2;
	p2 =	seq.s32 @!p0 s5, $0x0  }
0x1f: {  	s9 =	smul.u32 $0xF7A, s1;
	s8 =	simm.s32 @!p0 $0x1BF5;
	p2 =	por !p2, p0  }
0x20: {  	[sflag:s8] =	ssyncset.s32 @!p0 $0xFFFFF086;
	s6 =	sadd.s32 @!p0 s3, s7;
	s7 =	simm.s32 @!p0 $0x108  }
0x21: {  	s3 =	sadd.s32 s3, s9;
	s6 =	sadd.s32 @!p0 $0x88, s6;
	s7 =	simm.s32 @p2 $0x1082  }
0x22: {  	[simem:s7], [sflag:s8] =	dma.local @!p0 [hbm:s6], $0xF7A  }
0x23: {  	s9 =	sor.u32 $0xD0000000, s2;
	s6 =	simm.s32 $0x108;
	_ =	swait.ge @!p0 [sflag:s8], $0x0  }
0x24: {  	s3 =	sadd.s32 $0x88, s3;
	s6 =	simm.s32 @!p1 $0x1082;
	[sflag:s4] =	ssyncset.s32 $0xFFFFF086  }
0x25: {  	[simem:s6], [sflag:s4] =	dma.local [hbm:s3], $0xF7A  }
0x26: {  	[smem:$0x3F98] =	sst s1;
	(tag) =	ssettag s2;
	_ =	strace s9  }
0x27: {  	s1 =	sld [smem:$0x3FA8]  }
0x28: {  	s2 =	sld [smem:$0x3FA9]  }
0x29: {  	s4 =	sld [smem:$0x3FAB]  }
0x2a: {  	p0 =	seq.s32 s5, $0x0;
	s5 =	sld [smem:$0x3FAC]  }
0x2b: {  	s6 =	sld [smem:$0x3FAD]  }
0x2c: {  	s7 =	sld [smem:$0x3FAE]  }
0x2d: {  	s3 =	simm.s32 $0x108;
	s8 =	sld [smem:$0x3FAF]  }
0x2e: {  	s3 =	simm.s32 @!p0 $0x1082;
	s9 =	sld [smem:$0x3FB0]  }
0x2f: {  	lr =	sadd.s32 s0, s3;
	s0 =	sld [smem:$0x3FA7]  }
0x30: {  	s3 =	sld [smem:$0x3FAA]  }
0x31: {  	[smem:$0x3FB3] =	sst s10  }
0x32: {  	s10 =	sld [smem:$0x3FB1];
	_ =	sdelay $0x3  }
0x33: {  	p0 =	seq.s32 s10, $0x1;
	s10 =	sld [smem:$0x3FB3];
	_ =	sdelay $0x3  }
0x34: {  	[smem:$0x3FB3] =	sst s10  }
0x35: {  	s10 =	sld [smem:$0x3FB2];
	_ =	sdelay $0x3  }
0x36: {  	p1 =	seq.s32 s10, $0x1;
	s10 =	sld [smem:$0x3FB3];
	_ =	sdelay $0x3  }
0x37: {  	[smem:$0x3FB3] =	sst s10  }
0x38: {  	s10 =	sld [smem:$0x3FB4]  }
0x39: {  	_ = 	snop;
	(pc) =	sbr.ind lr, $3  }
0x3a: {  	_ = 	snop  }
0x3b: {  	_ = 	snop  }
0x3c: {  	p2 =	seq.s32 s10, $0x1;
	s10 =	sld [smem:$0x3FB3]  }
0x3d: {  	_ =	shalt  }
0x3e: {  	_ =	shalt  }
0x3f: {  	_ =	shalt  }
0x40: {  	_ =	shalt  }
0x41: {  	_ =	shalt  }
0x42: {  	_ =	shalt  }
0x43: {  	_ =	shalt  }
0x44: {  	_ =	shalt  }
0x45: {  	_ =	shalt  }
0x46: {  	_ =	shalt  }
0x47: {  	_ =	shalt  }
0x48: {  	_ =	shalt  }
0x49: {  	_ =	shalt  }
0x4a: {  	_ =	shalt  }
0x4b: {  	_ =	shalt  }
0x4c: {  	_ =	shalt  }
0x4d: {  	_ =	shalt  }
0x4e: {  	_ =	shalt  }
0x4f: {  	_ =	shalt  }
0x50: {  	_ =	shalt  }
0x51: {  	_ =	shalt  }
0x52: {  	_ =	shalt  }
0x53: {  	_ =	shalt  }
0x54: {  	_ =	shalt  }
0x55: {  	_ =	shalt  }
0x56: {  	_ =	shalt  }
0x57: {  	_ =	shalt  }
0x58: {  	_ =	shalt  }
0x59: {  	_ =	shalt  }
0x5a: {  	_ =	shalt  }
0x5b: {  	_ =	shalt  }
0x5c: {  	_ =	shalt  }
0x5d: {  	_ =	shalt  }
0x5e: {  	_ =	shalt  }
0x5f: {  	_ =	shalt  }
0x60: {  	_ =	shalt  }
0x61: {  	_ =	shalt  }
0x62: {  	_ =	shalt  }
0x63: {  	_ =	shalt  }
0x64: {  	_ =	shalt  }
0x65: {  	_ =	shalt  }
0x66: {  	_ =	shalt  }
0x67: {  	_ =	shalt  }
0x68: {  	_ =	shalt  }
0x69: {  	_ =	shalt  }
0x6a: {  	_ =	shalt  }
0x6b: {  	_ =	shalt  }
0x6c: {  	_ =	shalt  }
0x6d: {  	_ =	shalt  }
0x6e: {  	_ =	shalt  }
0x6f: {  	_ =	shalt  }
0x70: {  	_ =	shalt  }
0x71: {  	_ =	shalt  }
0x72: {  	_ =	shalt  }
0x73: {  	_ =	shalt  }
0x74: {  	_ =	shalt  }
0x75: {  	_ =	shalt  }
0x76: {  	_ =	shalt  }
0x77: {  	_ =	shalt  }
0x78: {  	_ =	shalt  }
0x79: {  	_ =	shalt  }
0x7a: {  	_ =	shalt  }
0x7b: {  	_ =	shalt  }
0x7c: {  	_ =	shalt  }
0x7d: {  	_ =	shalt  }
0x7e: {  	_ =	shalt  }
0x7f: {  	_ =	shalt  }
0x80: {  	_ =	shalt  }
0x81: {  	_ =	shalt  }
0x82: {  	_ =	shalt  }
0x83: {  	_ =	shalt  }
0x84: {  	_ =	shalt  }
0x85: {  	_ =	shalt  }
0x86: {  	_ =	shalt  }
0x87: {  	_ =	shalt  }
.Lfunc_end0:
.L_simem_size_0:
called_computation_lowered:
.L_overlay_start_0:
0x88: {  	s2 =	sld [smem:$0x3FD9]  }
0x89: {  	s3 =	sld [smem:$0x3FFE];
	_ =	sdelay $0x1  }
0x8a: {  	s1 =	srdreg.scid  }
0x8b: {  	s0 =	sand.u32 $0x1, s1  }
0x8c: {  	s16 =	sshll.u32 s0, $0xA;
	s2 =	sadd.s32 s3, s2  }
0x8d: {  	s2 =	sadd.s32 s2, s16  }
0x8e: {  	[smem:$0x3FBF] =	sst s2  }
0x8f: {  	_ = 	snop  }
0x90: {  	(tm) =	ssettm $0x1  }
0x91: {  	s17 =	sld [smem:$0x3FFB];
	_ =	sdelay $0x3  }
0x92: {  	_ =	strace s17  }
0x93: {  	s2 =	sld [smem:$0x3FFC];
	_ =	sdelay $0x3  }
0x94: {  	_ =	strace s2  }
0x95: {  	s2 =	sld [smem:$0x3FFD];
	_ =	sdelay $0x3  }
0x96: {  	_ =	strace s2  }
0x97: {  	_ =	strace $0x8FFFFFFF  }
0x98: {  	s18 =	sld [smem:$0x3FDB];
	_ =	sdelay $0x1  }
0x99: {  	s19 =	simm.s32 $_scs_section_size  }
0x9a: {  	s4 =	simm.s32 $_size__tile_overlayer_lowered;
	s5 =	simm.s32 $_tile_overlayer_lowered  }
0x9b: {  	s22 =	simm.s32 $0x1BFF;
	s21 =	sshll.u32 s5, $0x1;
	s2 =	sadd.s32 s19, s18  }
0x9c: {  	s6 =	simm.s32 $0x0;
	s20 =	sshll.u32 s4, $0x1;
	s4 =	sadd.s32 s21, s2  }
0x9d: {  	[timem:s6], [sflag:s22] =	dma.local [hbm:s4], s20  }
0x9e: {  	_ =	swait.ge [sflag:s22], s20  }
0x9f: {  	s3 =	ssub.s32 $0x0, s20;
	[sflag:s22] =	ssyncset.done $0x0  }
0xa0: {  	[sflag:s22] =	ssyncadd.s32 s3;
	_ =	sdelay $0x1  }
0xa1: {  	s23 =	simm.s32 $0x1B8B  }
0xa2: {  	_ =	swait.ge [sflag:s23], $0x1  }
0xa3: {  	[sflag:s23] =	ssyncset.done $0x0  }
0xa4: {  	s25 =	simm.s32 $0x1B8E;
	s24 =	sld [smem:$0x3FFE];
	[sflag:s23] =	ssyncadd.s32 $0xFFFFFFFF  }
0xa5: {  	s26 =	simm.s32 $execute0_lowered;
	[smem:$0x3FD2] =	sst s25  }
0xa6: {  	s4 =	sshll.u32 s26, $0x1;
	_ =	strace $0x80000046;
	[dreg:$0x1] =	wrdreg $0xFFFFFFFF  }
0xa7: {  	s28 =	simm.s32 $_size_execute0_lowered;
	s2 =	sadd.s32 s2, s4;
	[dreg:$0x0] =	wrdreg $0x0  }
0xa8: {  	s4 =	sshll.u32 s28, $0x1;
	[dreg:$0x2] =	wrdreg s2  }
0xa9: {  	[dreg:$0x3] =	wrdreg s4  }
0xaa: {  	[dreg:$0x4] =	wrdreg $0xC0  }
0xab: {  	_ =	task [dreg:s6], $0x5FFFF  }
0xac: {  	[dreg:$0x1] =	wrdreg $0xFFFFFFFF  }
0xad: {  	[dreg:$0x0] =	wrdreg $0x60  }
0xae: {  	[dreg:$0x2] =	wrdreg s24  }
0xaf: {  	[dreg:$0x3] =	wrdreg $0x9  }
0xb0: {  	_ =	task.clear_ibuf [dreg:s6], $0x4FFFF;
	_ =	strace $0x90000046  }
0xb1: {  	s29 =	simm.s32 $0x9;
	_ =	strace $0x80000048  }
0xb2: {  	_ =	swait.ge [sflag:s29], $0x1  }
0xb3: {  	[sflag:s29] =	ssyncadd.s32 $0xFFFFFFFF  }
0xb4: {  	_ =	strace $0x90000048  }
0xb5: {  	_ =	sfence  }
0xb6: {  	s30 =	sld [smem:$0x0];
	_ =	sdelay $0x2  }
0xb7: {  	s31 =	sshll.u32 s1, $0xD;
	s1 =	sshrl.u32 s1, $0x2  }
0xb8: {  	s3 =	sand.u32 $0x4000, s31;
	s1 =	sadd.s32 s1, s30  }
0xb9: {  	s0 =	sor.u32 s3, s0;
	s1 =	sshll.u32 s1, $0x11  }
0xba: {  	s0 =	sor.u32 s1, s0  }
0xbb: {  	s0 =	sadd.s32 $0x8F2B, s0  }
0xbc: {  	[sflag:s0] =	ssyncadd.remote.s32 $0x1  }
0xbd: {  	_ =	sfence.sel $0xFFFF  }
0xbe: {  	[dreg:$0x0] =	wrdreg $0xFFFFFFFF;
	(pc) =	sbr.abs _section_cstart, $3  }
0xbf: {  	[dreg:$0x1] =	wrdreg $0xFFFFFFFF  }
0xc0: {  	_ =	task.clear_ibuf [dreg:s6], $0x2FFFF;
	_ =	strace $0x9FFFFFFF  }
0xc1: {  	(tm) =	ssettm $0x7FFFFFFF  }
tec
execute0_lowered:
.L_overlay_start_1:
0x0: {  	(tag) =	ssettag $0x1  }
0x1: {  	s0 =	srdreg.scid  }
0x2: {  	s2 =	sand.u32 $0x1, s0;
	s0 =	stileid.u32  }
0x3: {  	s3 =	sor.u32 s0, s2  }
0x4: {  	p0 =	sne.s32 s3, $0x0  }
.Ltmp0:
0x5: {  	_ = 	snop;
	(pc) =	sbr.rel @p0 .LBB2_7-.Ltmp0, $3  }
0x6: {  	_ =	sdelay $0x1  }
0x7: {  	s5 =	rddreg [dreg:$0x0]  }
0x8: {  	s1 =	rddreg [dreg:$0x1];
	_ =	strace $0x80000047  }
0x9: {  	s6 =	ssub.s32 $0x2, s2  }
0xa: {  	s2 =	sadd.s32 $0x28A00, s5;
	s3 =	sadd.s32 $0x28800, s5;
	s4 =	sadd.s32 $0x28E00, s5  }
0xb: {  	s5 =	sadd.s32 $0x28C00, s5;
	s8 =	simm.s32 $0x1;
	s9 =	simm.s32 $0x800  }
0xc: {  	s10 =	simm.s32 $0x1000;
	s11 =	simm.s32 $0x2000;
	s7 =	sshrl.u32 s6, $0x1  }
0xd: {  	v0 =	vimm.s32 $0x0;
	v1 =	vimm.f32 $0.0e+00;
	v2 =	vlaneseq.u32;
	s12 =	simm.s32 $0x0;
	s6 =	ssub.s32 s6, s7;
	s7 =	simm.s32 $0x0  }
.LBB2_2:
0xe: {  	[tilespmem:s7], [sflag:$0x1] =	stream.linear.gather [hbm4b:s2+s7], $0x800, $0x38;
	[tilespmem:$0x3000] =	vst v63  }
0xf: {  	_ =	swait.ge [sflag:s8], $0x800  }
0x10: {  	[sflag:s8] =	ssyncset.done $0x0  }
0x11: {  	[sflag:s8] =	ssyncadd.s32 $0xFFFFF800  }
0x12: {  	[tilespmem:s9], [sflag:$0x1] =	stream.linear.gather [hbm4b:s3+s7], $0x800, $0x38;
	[tilespmem:$0x3000] =	vst v63  }
0x13: {  	_ =	swait.ge [sflag:s8], $0x800  }
0x14: {  	[sflag:s8] =	ssyncset.done $0x0  }
0x15: {  	s13 =	simm.s32 $0x0;
	[sflag:s8] =	ssyncadd.s32 $0xFFFFF800  }
.LBB2_3:
0x16: {  	p0 =	sne.s32 s13, $0x3FC0  }
.Ltmp1:
0x17: {  	_ = 	snop;
	(pc) =	sbr.rel @p0 .LBB2_3-.Ltmp1, $4  }
0x18: {  	_ = 	snop  }
0x19: {  	s14 =	sshra.s32 s13, $0x2  }
0x1a: {  	[tilespmem:s14+$0x1000] =	vst v0  }
0x1b: {  	s13 =	sadd.s32 $0x40, s13;
	[tilespmem:s14+$0x2000] =	vst v1  }
0x1c: {  	s13 =	simm.s32 $0x0  }
0x1d: {  	v3 =	vld [tilespmem:s13+$0x0];
	_ =	sdelay $0x5  }
0x1e: {  	v4 =	vor.u32 s13, v2  }
0x1f: {  	v4 =	vand.u32 $0x3FF, v4  }
0x20: {  	s13 =	simm.s32 $0x800;
	[tilespmem:v3+s10+$0x0] =	vst.idx.msk $0xffff, v4  }
0x21: {  	v4 =	vld [tilespmem:s13+$0x0];
	_ =	sdelay $0x4  }
0x22: {  	s14 =	simm.s32 $0x10;
	[tilespmem:v3+s11+$0x0] =	vst.idx.msk $0xffff, v4  }
0x23: {  	s15 =	simm.s32 $0x20;
	s16 =	simm.s32 $0x10;
	v3 =	vld [tilespmem:s14+$0x0]  }
.LBB2_5:
0x24: {  	p0 =	sne.s32 s15, $0x7F0;
	_ =	sdelay $0x4  }
0x25: {  	v4 =	vor.u32 s14, v2;
	s14 =	smov.u32 s15  }
0x26: {  	v4 =	vand.u32 $0x3FF, v4  }
0x27: {  	s13 =	sadd.s32 $0x10, s13;
	[tilespmem:v3+s10+$0x0] =	vst.idx.msk $0xffff, v4  }
0x28: {  	v4 =	vld [tilespmem:s13+$0x0];
	_ =	sdelay $0x1  }
.Ltmp2:
0x29: {  	(pc) =	sbr.rel @p0 .LBB2_5-.Ltmp2, $3  }
0x2a: {  	_ =	sdelay $0x1  }
0x2b: {  	s16 =	sadd.s32 $0x10, s16;
	[tilespmem:v3+s11+$0x0] =	vst.idx.msk $0xffff, v4  }
0x2c: {  	s15 =	sadd.s32 $0x10, s15;
	v3 =	vld [tilespmem:s16+$0x0]  }
0x2d: {  	_ =	sdelay $0x5  }
0x2e: {  	v4 =	vor.u32 s14, v2  }
0x2f: {  	v4 =	vand.u32 $0x3FF, v4  }
0x30: {  	s13 =	sadd.s32 $0x10, s13;
	[tilespmem:v3+s10+$0x0] =	vst.idx.msk $0xffff, v4  }
0x31: {  	v4 =	vld [tilespmem:s13+$0x0];
	_ =	sdelay $0x4  }
0x32: {  	[tilespmem:v3+s11+$0x0] =	vst.idx.msk $0xffff, v4  }
0x33: {  	[hbm4b:s4+s7] =	stream.linear.scatter [tilespmem:s10], [sflag:$0x1], $0x1000, $0x38;
	[tilespmem:$0x3000] =	vst v63  }
0x34: {  	s12 =	sadd.s32 $0x1, s12;
	_ =	swait.ge [sflag:s8], $0x1000  }
0x35: {  	p0 =	sne.s32 s12, s6;
	[sflag:s8] =	ssyncset.done $0x0  }
.Ltmp3:
0x36: {  	[sflag:s8] =	ssyncadd.s32 $0xFFFFF000;
	(pc) =	sbr.rel @p0 .LBB2_2-.Ltmp3, $4  }
0x37: {  	[hbm4b:s5+s7] =	stream.linear.scatter [tilespmem:s11], [sflag:$0x1], $0x1000, $0x38;
	[tilespmem:$0x3000] =	vst v63  }
0x38: {  	_ =	swait.ge [sflag:s8], $0x1000  }
0x39: {  	[sflag:s8] =	ssyncset.done $0x0  }
0x3a: {  	[sflag:s8] =	ssyncadd.s32 $0xFFFFF000  }
.LBB2_7:
0x3b: {  	_ =	sfence.sel $0x180000  }
0x3c: {  	[bflag:$0x0] =	sbarrier.arrive $0xFFFF  }
0x3d: {  	p0 =	sne.s32 s0, $0x0;
	_ =	strace $0x90000047  }
0x3e: {  	s0 =	sadd.s32 @!p0 $0x100000, s1;
	[bflag:$0x2] =	sbarrier.arrive $0xFFFF  }
0x3f: {  	[sflag:s0] =	ssyncadd.tile.s32 @!p0 $0x1;
	_ =	shalt  }
.Lfunc_end2:
_tile_overlayer_lowered:
.L_overlay_start_2:
0x40: {  	(tag) =	ssettag $0x2  }
0x41: {  	s0 =	rddreg [dreg:$0x0];
	s2 =	stileid.u32  }
0x42: {  	s1 =	rddreg [dreg:$0x1];
	p0 =	sne.s32 s2, $0x0  }
0x43: {  	s3 =	rddreg [dreg:$0x2];
	[bflag:$0x3] =	sbarrier.arrive $0xFFFF;
	s2 =	simm.s32 @!p0 $0x1C01  }
0x44: {  	[timem:s3], [sflag:s2] =	dma.local @!p0 [hbm:s0], s1  }
0x45: {  	s0 =	simm.s32 @!p0 $0x1  }
0x46: {  	_ =	swait.ge @!p0 [sflag:s0], s1  }
0x47: {  	s1 =	ssub.s32 @!p0 $0x0, s1;
	[sflag:s0] =	ssyncset.done @!p0 $0x0  }
0x48: {  	[sflag:s0] =	ssyncadd.s32 @!p0 s1  }
0x49: {  	[bflag:$0x3] =	sbarrier.arrive $0xFFFF  }
0x4a: {  	_ =	shalt  }

</sc_bundles>
